<compile_context>
chip_gen: v7x
topology: tpu7x:2x2x1
jax: 0.10.2.dev20260603
libtpu: 0.0.44.dev20260713+nightly
codegen_flags: <defaults>
</compile_context>

<pallas_src>
import functools

import jax
import jax.numpy as jnp
import numpy as np
from jax import lax
from jax.experimental import pallas as pl
from jax.experimental.pallas import tpu as pltpu
from jax.experimental.pallas import tpu_sc as plsc

_EPS = 0.1
_CH = 56


def _to_z_sc(n, p, x_hbm, o_hbm, bufs, tail, xblk, sems, tsem):
    info = plsc.get_sparse_core_info()
    nc, ns = info.num_cores, info.num_subcores
    nw = nc * ns
    nch = (1 + p) // _CH
    per_w = n // nw

    wid = lax.axis_index("s") * nc + lax.axis_index("c")
    lanes = jnp.arange(16, dtype=jnp.int32)
    zeros16 = jnp.zeros((16,), jnp.float32)

    def _onehot(col):
        return jnp.where(lanes == col % 16, _EPS, 0.0).astype(jnp.float32)

    def _grp(col):
        return (col // 16) * 16

    def _zero_row(r, _):
        def _zero_seg(q, _):
            for b in range(2):
                bufs[b, r, pl.ds(q * 16, 16)] = zeros16
            return 0

        return lax.fori_loop(0, p // 16, _zero_seg, 0)

    lax.fori_loop(0, _CH, _zero_row, 0)

    def _zero_tail(q, _):
        tail[0, pl.ds(q * 16, 16)] = zeros16
        return 0

    lax.fori_loop(0, p // 16, _zero_tail, 0)
    tail[0, pl.ds(_grp(p - 1), 16)] = _onehot(p - 1)

    def _chunk_dmas(b, c, start):
        for s in range(per_w):
            batch = wid * per_w + s
            cp = pltpu.make_async_copy(
                bufs.at[b],
                o_hbm.at[batch, pl.ds(c * _CH, _CH), :],
                sems.at[b],
            )
            if start:
                cp.start()
            else:
                cp.wait()

    blk0 = (wid * per_w // 8) * 8
    pltpu.sync_copy(x_hbm.at[pl.ds(blk0, 8), :], xblk)

    def _set_c0(j, _):
        bufs[0, j, pl.ds(_grp(j - 1), 16)] = _onehot(j - 1)
        return 0

    lax.fori_loop(1, _CH, _set_c0, 0)
    for s in range(per_w):
        batch = wid * per_w + s

        def _copy_x(q, _):
            bufs[0, 0, pl.ds(q * 16, 16)] = xblk[
                wid * per_w + s - blk0, pl.ds(q * 16, 16)
            ]
            return 0

        lax.fori_loop(0, p // 16, _copy_x, 0)
        pltpu.make_async_copy(
            bufs.at[0], o_hbm.at[batch, pl.ds(0, _CH), :], sems.at[0]
        ).start()
        pltpu.make_async_copy(
            bufs.at[0], o_hbm.at[batch, pl.ds(0, _CH), :], sems.at[0]
        ).wait()
        pltpu.make_async_copy(
            tail, o_hbm.at[batch, pl.ds(nch * _CH, 1), :], tsem
        ).start()

    def _clr_c0(j, _):
        bufs[0, j, pl.ds(_grp(j - 1), 16)] = zeros16
        return 0

    lax.fori_loop(1, _CH, _clr_c0, 0)

    def _clr_x(q, _):
        bufs[0, 0, pl.ds(q * 16, 16)] = zeros16
        return 0

    lax.fori_loop(0, p // 16, _clr_x, 0)

    def _do_chunk(b, c):
        @pl.when(c > 2)
        def _wait_prev():
            _chunk_dmas(b, c - 2, start=False)

        def _edit_row(j, _):
            col_new = c * _CH + j - 1
            col_old = col_new - 2 * _CH

            @pl.when(col_old >= 0)
            def _clr():
                bufs[b, j, pl.ds(_grp(col_old), 16)] = zeros16

            bufs[b, j, pl.ds(_grp(col_new), 16)] = _onehot(col_new)
            return 0

        lax.fori_loop(0, _CH, _edit_row, 0)
        _chunk_dmas(b, c, start=True)

    def _pair(t, _):
        for b in range(2):
            _do_chunk(b, 2 * t + b + 1)
        return 0

    lax.fori_loop(0, (nch - 2) // 2, _pair, 0)
    _do_chunk(0, jnp.int32(nch - 1))

    _chunk_dmas(1, nch - 2, start=False)
    _chunk_dmas(0, nch - 1, start=False)
    for s in range(per_w):
        batch = wid * per_w + s
        pltpu.make_async_copy(
            tail, o_hbm.at[batch, pl.ds(nch * _CH, 1), :], tsem
        ).wait()


def kernel(x):
    n = x.shape[0]
    inner = x.shape[1:]
    p = int(np.prod(inner))
    xf = x.reshape(n, p)
    mesh = plsc.VectorSubcoreMesh(core_axis_name="c", subcore_axis_name="s")
    out = pl.kernel(
        functools.partial(_to_z_sc, n, p),
        out_type=jax.ShapeDtypeStruct((n, 1 + p, p), x.dtype),
        mesh=mesh,
        scratch_types=[
            pltpu.VMEM((2, _CH, p), jnp.float32),
            pltpu.VMEM((1, p), jnp.float32),
            pltpu.VMEM((8, p), jnp.float32),
            pltpu.SemaphoreType.DMA((2,)),
            pltpu.SemaphoreType.DMA,
        ],
        compiler_params=pltpu.CompilerParams(use_tc_tiling_on_sc=True),
    )(xf)
    return out.reshape((n, 1 + p) + tuple(inner))

# --- scband reference (transcript-rebuilt; emitter-appended) ---
"""Pipeline reference for scband-to-z-68092411511117 (READ-ONLY COPY).

The authoritative reference and input builder live on the scoring server;
editing this copy changes nothing except your own understanding.
"""

import jax, jax.numpy as jnp
import numpy as np

EPS = 0.1

def setup_inputs(seed: int = 0) -> dict:
    key = jax.random.key(seed)
    x = jax.random.uniform(key, (64, 1, 28, 28), dtype=jnp.float32)
    return {"x": x}

def reference(x):
    # ToZ.forward: extend_Z(x[:, None, ...], eps)
    eps = EPS
    N = x.shape[0]
    inner = x.shape[1:]                      # (C, H, W)
    pad = int(np.prod(inner))                # number of new error terms
    x1 = x[:, None, ...]                     # (N, 1, C, H, W), K = 1
    K = x1.shape[1]
    # pad_K_dim: zero-pad the K dimension by `pad`
    zeros = jnp.zeros((N, pad) + tuple(inner), dtype=x.dtype)
    out = jnp.concatenate([x1, zeros], axis=1)   # (N, 1+pad, C, H, W)
    # vals = eps * ones(pad); diagflat -> (pad, pad) -> view (1, pad, C, H, W)
    vals = eps * jnp.ones((pad,), dtype=x.dtype)
    idx = jnp.arange(pad)
    diag = jnp.zeros((pad, pad), dtype=x.dtype).at[idx, idx].set(vals)
    diag = diag.reshape((1, pad) + tuple(inner))
    # scatter-overwrite x[:, K:, ...] = diag (broadcast over batch)
    out = out.at[:, K:, ...].set(jnp.broadcast_to(diag, (N, pad) + tuple(inner)))
    return out

if __name__ == "__main__":
    import jax
    _d = setup_inputs()
    print(jax.jit(kernel)(*tuple(_d.values())))

</pallas_src>

<mosaic_0001>
#map = affine_map<(d0, d1) -> (0, 0)>
#map1 = affine_map<(d0, d1) -> (0, 0, 0)>
module attributes {stable_mosaic.version = 14 : i64} {
  func.func @_to_z_sc(%arg0: i32, %arg1: i32, %arg2: memref<64x784xf32, #tpu.memory_space<hbm>>, %arg3: memref<64x785x784xf32, #tpu.memory_space<hbm>>, %arg4: memref<2x56x784xf32, #tpu.memory_space<vmem>>, %arg5: memref<1x784xf32, #tpu.memory_space<vmem>>, %arg6: memref<8x784xf32, #tpu.memory_space<vmem>>, %arg7: memref<2x!tpu.dma_semaphore, #tpu.memory_space<semaphore_mem>>, %arg8: memref<!tpu.dma_semaphore, #tpu.memory_space<semaphore_mem>>) attributes {dimension_semantics = [#tpu.dimension_semantics<core_parallel>, #tpu.dimension_semantics<subcore_parallel>], iteration_bounds = array<i64: 2, 16>, scalar_prefetch = 0 : i64, scratch_operands = 5 : i64, tpu.core_type = #tpu.core_type<sc_vector_subcore>, window_params = [{transform_indices = #map}, {transform_indices = #map1}]} {
    %mul3A = arith.constant 2 : i32
    %mul3A_0 = arith.muli %arg1, %mul3A : i32
    %add3A = arith.addi %mul3A_0, %arg0 : i32
    %iota3A = tpu.iota {dimensions = array<i32: 0>} : vector<16xi32>
    %broadcast_in_dim3A = arith.constant 0.000000e+00 : f32
    %broadcast_in_dim3A_1 = vector.broadcast %broadcast_in_dim3A : f32 to vector<16xf32>
    %scan3A = arith.constant 0 : i32
    %scan3A_2 = arith.constant 0 : i32
    %scan3A_3 = arith.constant 56 : i32
    %scan3A_4 = arith.addi %scan3A_2, %scan3A_3 : i32
    %scan3A_5 = arith.constant 1 : i32
    %scan3A_6 = scf.for %scan3A_373 = %scan3A_2 to %scan3A_4 step %scan3A_5 iter_args(%scan3A_374 = %scan3A) -> (i32)  : i32 {
      %scan3A_375 = arith.constant 0 : i32
      %scan3A_376 = arith.constant 0 : i32
      %scan3A_377 = arith.constant 49 : i32
      %scan3A_378 = arith.addi %scan3A_376, %scan3A_377 : i32
      %scan3A_379 = arith.constant 1 : i32
      %scan3A_380 = scf.for %scan3A_382 = %scan3A_376 to %scan3A_378 step %scan3A_379 iter_args(%scan3A_383 = %scan3A_375) -> (i32)  : i32 {
        %mul3A_384 = arith.constant 16 : i32
        %mul3A_385 = arith.muli %scan3A_382, %mul3A_384 : i32
        %swap3A_386 = arith.constant 0 : i32
        %swap3A_387 = arith.index_cast %swap3A_386 : i32 to index
        %swap3A_388 = arith.index_cast %scan3A_373 : i32 to index
        %swap3A_389 = arith.index_cast %mul3A_385 : i32 to index
        %swap3A_390 = tpu.vector_load %arg4[%swap3A_387, %swap3A_388, %swap3A_389] {strides = array<i32>} : memref<2x56x784xf32, #tpu.memory_space<vmem>>, vector<1x1x16xf32>,
        %swap3A_391 = vector.shape_cast %swap3A_390 : vector<1x1x16xf32> to vector<16xf32>
        %swap3A_392 = vector.shape_cast %broadcast_in_dim3A_1 : vector<16xf32> to vector<1x1x16xf32>
        tpu.vector_store %arg4[%swap3A_387, %swap3A_388, %swap3A_389], %swap3A_392 {strides = array<i32>} : memref<2x56x784xf32, #tpu.memory_space<vmem>>, vector<1x1x16xf32>,
        %mul3A_393 = arith.constant 16 : i32
        %mul3A_394 = arith.muli %scan3A_382, %mul3A_393 : i32
        %swap3A_395 = arith.constant 1 : i32
        %swap3A_396 = arith.index_cast %swap3A_395 : i32 to index
        %swap3A_397 = arith.index_cast %scan3A_373 : i32 to index
        %swap3A_398 = arith.index_cast %mul3A_394 : i32 to index
        %swap3A_399 = tpu.vector_load %arg4[%swap3A_396, %swap3A_397, %swap3A_398] {strides = array<i32>} : memref<2x56x784xf32, #tpu.memory_space<vmem>>, vector<1x1x16xf32>,
        %swap3A_400 = vector.shape_cast %swap3A_399 : vector<1x1x16xf32> to vector<16xf32>
        %swap3A_401 = vector.shape_cast %broadcast_in_dim3A_1 : vector<16xf32> to vector<1x1x16xf32>
        tpu.vector_store %arg4[%swap3A_396, %swap3A_397, %swap3A_398], %swap3A_401 {strides = array<i32>} : memref<2x56x784xf32, #tpu.memory_space<vmem>>, vector<1x1x16xf32>,
        %scan3A_402 = arith.constant 0 : i32
        scf.yield %scan3A_402 : i32
      }
      %scan3A_381 = arith.constant 49 : i32
      scf.yield %scan3A_380 : i32
    }
    %scan3A_7 = arith.constant 56 : i32
    %scan3A_8 = arith.constant 0 : i32
    %scan3A_9 = arith.constant 0 : i32
    %scan3A_10 = arith.constant 49 : i32
    %scan3A_11 = arith.addi %scan3A_9, %scan3A_10 : i32
    %scan3A_12 = arith.constant 1 : i32
    %scan3A_13 = scf.for %scan3A_373 = %scan3A_9 to %scan3A_11 step %scan3A_12 iter_args(%scan3A_374 = %scan3A_8) -> (i32)  : i32 {
      %mul3A_375 = arith.constant 16 : i32
      %mul3A_376 = arith.muli %scan3A_373, %mul3A_375 : i32
      %swap3A_377 = arith.constant 0 : i32
      %swap3A_378 = arith.index_cast %swap3A_377 : i32 to index
      %swap3A_379 = arith.index_cast %mul3A_376 : i32 to index
      %swap3A_380 = tpu.vector_load %arg5[%swap3A_378, %swap3A_379] {strides = array<i32>} : memref<1x784xf32, #tpu.memory_space<vmem>>, vector<1x16xf32>,
      %swap3A_381 = vector.shape_cast %swap3A_380 : vector<1x16xf32> to vector<16xf32>
      %swap3A_382 = vector.shape_cast %broadcast_in_dim3A_1 : vector<16xf32> to vector<1x16xf32>
      tpu.vector_store %arg5[%swap3A_378, %swap3A_379], %swap3A_382 {strides = array<i32>} : memref<1x784xf32, #tpu.memory_space<vmem>>, vector<1x16xf32>,
      %scan3A_383 = arith.constant 0 : i32
      scf.yield %scan3A_383 : i32
    }
    %scan3A_14 = arith.constant 49 : i32
    %eq3A = arith.constant 15 : i32
    %eq3A_15 = vector.broadcast %eq3A : i32 to vector<16xi32>
    %eq3A_16 = arith.cmpi eq, %iota3A, %eq3A_15 : vector<16xi32>
    %jit3A = arith.constant 1.000000e-01 : f32
    %jit3A_17 = arith.constant 0.000000e+00 : f32
    %broadcast_in_dim3A_18 = vector.broadcast %jit3A : f32 to vector<16xf32>
    %broadcast_in_dim3A_19 = vector.broadcast %jit3A_17 : f32 to vector<16xf32>
    %select_n3A = arith.select %eq3A_16, %broadcast_in_dim3A_18, %broadcast_in_dim3A_19 : vector<16xi1>, vector<16xf32>
    %swap3A = arith.constant 0 : i32
    %swap3A_20 = arith.index_cast %swap3A : i32 to index
    %swap3A_21 = arith.constant 768 : index
    %swap3A_22 = tpu.vector_load %arg5[%swap3A_20, %swap3A_21] {strides = array<i32>} : memref<1x784xf32, #tpu.memory_space<vmem>>, vector<1x16xf32>,
    %swap3A_23 = vector.shape_cast %swap3A_22 : vector<1x16xf32> to vector<16xf32>
    %swap3A_24 = vector.shape_cast %select_n3A : vector<16xf32> to vector<1x16xf32>
    tpu.vector_store %arg5[%swap3A_20, %swap3A_21], %swap3A_24 {strides = array<i32>} : memref<1x784xf32, #tpu.memory_space<vmem>>, vector<1x16xf32>,
    %mul3A_25 = arith.constant 2 : i32
    %mul3A_26 = arith.muli %add3A, %mul3A_25 : i32
    %jit3A_27 = arith.constant 8 : i32
    %div3A = arith.divsi %mul3A_26, %jit3A_27 : i32
    %sign3A = arith.constant 0 : i32
    %sign3A_28 = arith.cmpi sgt, %mul3A_26, %sign3A : i32
    %sign3A_29 = arith.extui %sign3A_28 : i1 to i32
    %sign3A_30 = arith.constant 0 : i32
    %sign3A_31 = arith.cmpi slt, %mul3A_26, %sign3A_30 : i32
    %sign3A_32 = arith.extui %sign3A_31 : i1 to i32
    %sign3A_33 = arith.subi %sign3A_29, %sign3A_32 : i32
    %sign3A_34 = arith.constant 0 : i32
    %sign3A_35 = arith.cmpi sgt, %jit3A_27, %sign3A_34 : i32
    %sign3A_36 = arith.extui %sign3A_35 : i1 to i32
    %sign3A_37 = arith.constant 0 : i32
    %sign3A_38 = arith.cmpi slt, %jit3A_27, %sign3A_37 : i32
    %sign3A_39 = arith.extui %sign3A_38 : i1 to i32
    %sign3A_40 = arith.subi %sign3A_36, %sign3A_39 : i32
    %ne3A = arith.cmpi ne, %sign3A_33, %sign3A_40 : i32
    %rem3A = arith.remsi %mul3A_26, %jit3A_27 : i32
    %ne3A_41 = arith.constant 0 : i32
    %ne3A_42 = arith.cmpi ne, %rem3A, %ne3A_41 : i32
    %and3A = arith.andi %ne3A, %ne3A_42 : i1
    %sub3A = arith.constant 1 : i32
    %sub3A_43 = arith.subi %div3A, %sub3A : i32
    %select_n3A_44 = arith.select %and3A, %sub3A_43, %div3A : i32
    %mul3A_45 = arith.constant 8 : i32
    %mul3A_46 = arith.muli %select_n3A_44, %mul3A_45 : i32
    "tpu.region"() ({
      %run_scoped3A = tpu.sem_alloc : memref<!tpu.dma_semaphore, #tpu.memory_space<semaphore_mem>>
      %dma_start3A_373 = arith.constant 0 : i32
      %dma_start3A_374 = tpu.memref_slice %arg2[%mul3A_46, %dma_start3A_373] : memref<64x784xf32, #tpu.memory_space<hbm>> -> memref<8x784xf32, #tpu.memory_space<hbm>>
      %dma_start3A_375 = arith.constant 0 : i32
      %dma_start3A_376 = tpu.memref_slice %arg2[%mul3A_46, %dma_start3A_375] : memref<64x784xf32, #tpu.memory_space<hbm>> -> memref<8x784xf32, #tpu.memory_space<hbm>>
      tpu.enqueue_dma source(%dma_start3A_376 : memref<8x784xf32, #tpu.memory_space<hbm>>) target(%arg6 : memref<8x784xf32, #tpu.memory_space<vmem>>) target_semaphore(%run_scoped3A : memref<!tpu.dma_semaphore, #tpu.memory_space<semaphore_mem>>)
      %dma_wait3A_377 = arith.constant 0 : i32
      %dma_wait3A_378 = tpu.memref_slice %arg2[%mul3A_46, %dma_wait3A_377] : memref<64x784xf32, #tpu.memory_space<hbm>> -> memref<8x784xf32, #tpu.memory_space<hbm>>
      %dma_wait3A_379 = arith.constant 0 : i32
      %dma_wait3A_380 = tpu.memref_slice %arg2[%mul3A_46, %dma_wait3A_379] : memref<64x784xf32, #tpu.memory_space<hbm>> -> memref<8x784xf32, #tpu.memory_space<hbm>>
      tpu.wait_dma2 semaphore(%run_scoped3A : memref<!tpu.dma_semaphore, #tpu.memory_space<semaphore_mem>>) src(%dma_wait3A_380 : memref<8x784xf32, #tpu.memory_space<hbm>>) dst(%arg6 : memref<8x784xf32, #tpu.memory_space<vmem>>)
      tpu.yield
    }) : () -> ()
    %scan3A_47 = arith.constant 0 : i32
    %scan3A_48 = arith.constant 1 : i32
    %scan3A_49 = arith.constant 55 : i32
    %scan3A_50 = arith.addi %scan3A_48, %scan3A_49 : i32
    %scan3A_51 = arith.constant 1 : i32
    %scan3A_52 = scf.for %scan3A_373 = %scan3A_48 to %scan3A_50 step %scan3A_51 iter_args(%scan3A_374 = %scan3A_47) -> (i32)  : i32 {
      %sub3A_375 = arith.constant 1 : i32
      %sub3A_376 = arith.subi %scan3A_373, %sub3A_375 : i32
      %jit3A_377 = arith.constant 16 : i32
      %eq3A_378 = arith.constant 0 : i32
      %eq3A_379 = arith.cmpi eq, %jit3A_377, %eq3A_378 : i32
      %jit3A_380 = arith.constant 1 : i32
      %select_n3A_381 = arith.select %eq3A_379, %jit3A_380, %jit3A_377 : i32
      %rem3A_382 = arith.remsi %sub3A_376, %select_n3A_381 : i32
      %ne3A_383 = arith.constant 0 : i32
      %ne3A_384 = arith.cmpi ne, %rem3A_382, %ne3A_383 : i32
      %lt3A = arith.constant 0 : i32
      %lt3A_385 = arith.cmpi slt, %rem3A_382, %lt3A : i32
      %lt3A_386 = arith.constant 0 : i32
      %lt3A_387 = arith.cmpi slt, %select_n3A_381, %lt3A_386 : i32
      %ne3A_388 = arith.xori %lt3A_385, %lt3A_387 : i1
      %and3A_389 = arith.andi %ne3A_388, %ne3A_384 : i1
      %add3A_390 = arith.addi %rem3A_382, %select_n3A_381 : i32
      %select_n3A_391 = arith.select %and3A_389, %add3A_390, %rem3A_382 : i32
      %eq3A_392 = vector.broadcast %select_n3A_391 : i32 to vector<16xi32>
      %eq3A_393 = arith.cmpi eq, %iota3A, %eq3A_392 : vector<16xi32>
      %jit3A_394 = arith.constant 1.000000e-01 : f32
      %jit3A_395 = arith.constant 0.000000e+00 : f32
      %broadcast_in_dim3A_396 = vector.broadcast %jit3A_394 : f32 to vector<16xf32>
      %broadcast_in_dim3A_397 = vector.broadcast %jit3A_395 : f32 to vector<16xf32>
      %select_n3A_398 = arith.select %eq3A_393, %broadcast_in_dim3A_396, %broadcast_in_dim3A_397 : vector<16xi1>, vector<16xf32>
      %sub3A_399 = arith.constant 1 : i32
      %sub3A_400 = arith.subi %scan3A_373, %sub3A_399 : i32
      %jit3A_401 = arith.constant 16 : i32
      %div3A_402 = arith.divsi %sub3A_400, %jit3A_401 : i32
      %sign3A_403 = arith.constant 0 : i32
      %sign3A_404 = arith.cmpi sgt, %sub3A_400, %sign3A_403 : i32
      %sign3A_405 = arith.extui %sign3A_404 : i1 to i32
      %sign3A_406 = arith.constant 0 : i32
      %sign3A_407 = arith.cmpi slt, %sub3A_400, %sign3A_406 : i32
      %sign3A_408 = arith.extui %sign3A_407 : i1 to i32
      %sign3A_409 = arith.subi %sign3A_405, %sign3A_408 : i32
      %sign3A_410 = arith.constant 0 : i32
      %sign3A_411 = arith.cmpi sgt, %jit3A_401, %sign3A_410 : i32
      %sign3A_412 = arith.extui %sign3A_411 : i1 to i32
      %sign3A_413 = arith.constant 0 : i32
      %sign3A_414 = arith.cmpi slt, %jit3A_401, %sign3A_413 : i32
      %sign3A_415 = arith.extui %sign3A_414 : i1 to i32
      %sign3A_416 = arith.subi %sign3A_412, %sign3A_415 : i32
      %ne3A_417 = arith.cmpi ne, %sign3A_409, %sign3A_416 : i32
      %rem3A_418 = arith.remsi %sub3A_400, %jit3A_401 : i32
      %ne3A_419 = arith.constant 0 : i32
      %ne3A_420 = arith.cmpi ne, %rem3A_418, %ne3A_419 : i32
      %and3A_421 = arith.andi %ne3A_417, %ne3A_420 : i1
      %sub3A_422 = arith.constant 1 : i32
      %sub3A_423 = arith.subi %div3A_402, %sub3A_422 : i32
      %select_n3A_424 = arith.select %and3A_421, %sub3A_423, %div3A_402 : i32
      %mul3A_425 = arith.constant 16 : i32
      %mul3A_426 = arith.muli %select_n3A_424, %mul3A_425 : i32
      %swap3A_427 = arith.constant 0 : i32
      %swap3A_428 = arith.index_cast %swap3A_427 : i32 to index
      %swap3A_429 = arith.index_cast %scan3A_373 : i32 to index
      %swap3A_430 = arith.index_cast %mul3A_426 : i32 to index
      %swap3A_431 = tpu.vector_load %arg4[%swap3A_428, %swap3A_429, %swap3A_430] {strides = array<i32>} : memref<2x56x784xf32, #tpu.memory_space<vmem>>, vector<1x1x16xf32>,
      %swap3A_432 = vector.shape_cast %swap3A_431 : vector<1x1x16xf32> to vector<16xf32>
      %swap3A_433 = vector.shape_cast %select_n3A_398 : vector<16xf32> to vector<1x1x16xf32>
      tpu.vector_store %arg4[%swap3A_428, %swap3A_429, %swap3A_430], %swap3A_433 {strides = array<i32>} : memref<2x56x784xf32, #tpu.memory_space<vmem>>, vector<1x1x16xf32>,
      %scan3A_434 = arith.constant 0 : i32
      scf.yield %scan3A_434 : i32
    }
    %scan3A_53 = arith.constant 55 : i32
    %mul3A_54 = arith.constant 2 : i32
    %mul3A_55 = arith.muli %add3A, %mul3A_54 : i32
    %add3A_56 = arith.constant 0 : i32
    %add3A_57 = arith.addi %mul3A_55, %add3A_56 : i32
    %scan3A_58 = arith.constant 0 : i32
    %scan3A_59 = arith.constant 0 : i32
    %scan3A_60 = arith.constant 49 : i32
    %scan3A_61 = arith.addi %scan3A_59, %scan3A_60 : i32
    %scan3A_62 = arith.constant 1 : i32
    %scan3A_63 = scf.for %scan3A_373 = %scan3A_59 to %scan3A_61 step %scan3A_62 iter_args(%scan3A_374 = %scan3A_58) -> (i32)  : i32 {
      %mul3A_375 = arith.constant 2 : i32
      %mul3A_376 = arith.muli %add3A, %mul3A_375 : i32
      %add3A_377 = arith.constant 0 : i32
      %add3A_378 = arith.addi %mul3A_376, %add3A_377 : i32
      %sub3A_379 = arith.subi %add3A_378, %mul3A_46 : i32
      %mul3A_380 = arith.constant 16 : i32
      %mul3A_381 = arith.muli %scan3A_373, %mul3A_380 : i32
      %get3A = arith.index_cast %sub3A_379 : i32 to index
      %get3A_382 = arith.index_cast %mul3A_381 : i32 to index
      %get3A_383 = tpu.vector_load %arg6[%get3A, %get3A_382] {strides = array<i32>} : memref<8x784xf32, #tpu.memory_space<vmem>>, vector<1x16xf32>,
      %get3A_384 = vector.shape_cast %get3A_383 : vector<1x16xf32> to vector<16xf32>
      %mul3A_385 = arith.constant 16 : i32
      %mul3A_386 = arith.muli %scan3A_373, %mul3A_385 : i32
      %swap3A_387 = arith.constant 0 : i32
      %swap3A_388 = arith.constant 0 : i32
      %swap3A_389 = arith.index_cast %swap3A_387 : i32 to index
      %swap3A_390 = arith.index_cast %swap3A_388 : i32 to index
      %swap3A_391 = arith.index_cast %mul3A_386 : i32 to index
      %swap3A_392 = tpu.vector_load %arg4[%swap3A_389, %swap3A_390, %swap3A_391] {strides = array<i32>} : memref<2x56x784xf32, #tpu.memory_space<vmem>>, vector<1x1x16xf32>,
      %swap3A_393 = vector.shape_cast %swap3A_392 : vector<1x1x16xf32> to vector<16xf32>
      %swap3A_394 = vector.shape_cast %get3A_384 : vector<16xf32> to vector<1x1x16xf32>
      tpu.vector_store %arg4[%swap3A_389, %swap3A_390, %swap3A_391], %swap3A_394 {strides = array<i32>} : memref<2x56x784xf32, #tpu.memory_space<vmem>>, vector<1x1x16xf32>,
      %scan3A_395 = arith.constant 0 : i32
      scf.yield %scan3A_395 : i32
    }
    %scan3A_64 = arith.constant 49 : i32
    %dma_start3A = arith.constant 0 : i32
    %dma_start3A_65 = arith.constant 0 : i32
    %dma_start3A_66 = arith.constant 0 : i32
    %dma_start3A_67 = arith.constant 0 : i32
    %dma_start3A_68 = tpu.memref_slice %arg4[%dma_start3A, %dma_start3A_66, %dma_start3A_67] : memref<2x56x784xf32, #tpu.memory_space<vmem>> -> memref<1x56x784xf32, #tpu.memory_space<vmem>>
    %dma_start3A_69 = tpu.memref_squeeze %dma_start3A_68 : memref<1x56x784xf32, #tpu.memory_space<vmem>> -> memref<56x784xf32, #tpu.memory_space<vmem>>
    %dma_start3A_70 = arith.constant 0 : i32
    %dma_start3A_71 = arith.constant 0 : i32
    %dma_start3A_72 = tpu.memref_slice %arg3[%add3A_57, %dma_start3A_70, %dma_start3A_71] : memref<64x785x784xf32, #tpu.memory_space<hbm>> -> memref<1x56x784xf32, #tpu.memory_space<hbm>>
    %dma_start3A_73 = tpu.memref_squeeze %dma_start3A_72 : memref<1x56x784xf32, #tpu.memory_space<hbm>> -> memref<56x784xf32, #tpu.memory_space<hbm>>
    %dma_start3A_74 = tpu.memref_slice %arg7[%dma_start3A_65] : memref<2x!tpu.dma_semaphore, #tpu.memory_space<semaphore_mem>> -> memref<1x!tpu.dma_semaphore, #tpu.memory_space<semaphore_mem>>
    %dma_start3A_75 = tpu.memref_squeeze %dma_start3A_74 : memref<1x!tpu.dma_semaphore, #tpu.memory_space<semaphore_mem>> -> memref<!tpu.dma_semaphore, #tpu.memory_space<semaphore_mem>>
    %dma_start3A_76 = arith.constant 0 : i32
    %dma_start3A_77 = arith.constant 0 : i32
    %dma_start3A_78 = tpu.memref_slice %arg3[%add3A_57, %dma_start3A_76, %dma_start3A_77] : memref<64x785x784xf32, #tpu.memory_space<hbm>> -> memref<1x56x784xf32, #tpu.memory_space<hbm>>
    %dma_start3A_79 = tpu.memref_squeeze %dma_start3A_78 : memref<1x56x784xf32, #tpu.memory_space<hbm>> -> memref<56x784xf32, #tpu.memory_space<hbm>>
    %dma_start3A_80 = arith.constant 0 : i32
    %dma_start3A_81 = arith.constant 0 : i32
    %dma_start3A_82 = tpu.memref_slice %arg4[%dma_start3A, %dma_start3A_80, %dma_start3A_81] : memref<2x56x784xf32, #tpu.memory_space<vmem>> -> memref<1x56x784xf32, #tpu.memory_space<vmem>>
    %dma_start3A_83 = tpu.memref_squeeze %dma_start3A_82 : memref<1x56x784xf32, #tpu.memory_space<vmem>> -> memref<56x784xf32, #tpu.memory_space<vmem>>
    tpu.enqueue_dma source(%dma_start3A_83 : memref<56x784xf32, #tpu.memory_space<vmem>>) target(%dma_start3A_79 : memref<56x784xf32, #tpu.memory_space<hbm>>) target_semaphore(%dma_start3A_75 : memref<!tpu.dma_semaphore, #tpu.memory_space<semaphore_mem>>)
    %dma_wait3A = arith.constant 0 : i32
    %dma_wait3A_84 = arith.constant 0 : i32
    %dma_wait3A_85 = arith.constant 0 : i32
    %dma_wait3A_86 = arith.constant 0 : i32
    %dma_wait3A_87 = tpu.memref_slice %arg4[%dma_wait3A, %dma_wait3A_85, %dma_wait3A_86] : memref<2x56x784xf32, #tpu.memory_space<vmem>> -> memref<1x56x784xf32, #tpu.memory_space<vmem>>
    %dma_wait3A_88 = tpu.memref_squeeze %dma_wait3A_87 : memref<1x56x784xf32, #tpu.memory_space<vmem>> -> memref<56x784xf32, #tpu.memory_space<vmem>>
    %dma_wait3A_89 = arith.constant 0 : i32
    %dma_wait3A_90 = arith.constant 0 : i32
    %dma_wait3A_91 = tpu.memref_slice %arg3[%add3A_57, %dma_wait3A_89, %dma_wait3A_90] : memref<64x785x784xf32, #tpu.memory_space<hbm>> -> memref<1x56x784xf32, #tpu.memory_space<hbm>>
    %dma_wait3A_92 = tpu.memref_squeeze %dma_wait3A_91 : memref<1x56x784xf32, #tpu.memory_space<hbm>> -> memref<56x784xf32, #tpu.memory_space<hbm>>
    %dma_wait3A_93 = tpu.memref_slice %arg7[%dma_wait3A_84] : memref<2x!tpu.dma_semaphore, #tpu.memory_space<semaphore_mem>> -> memref<1x!tpu.dma_semaphore, #tpu.memory_space<semaphore_mem>>
    %dma_wait3A_94 = tpu.memref_squeeze %dma_wait3A_93 : memref<1x!tpu.dma_semaphore, #tpu.memory_space<semaphore_mem>> -> memref<!tpu.dma_semaphore, #tpu.memory_space<semaphore_mem>>
    %dma_wait3A_95 = arith.constant 0 : i32
    %dma_wait3A_96 = arith.constant 0 : i32
    %dma_wait3A_97 = tpu.memref_slice %arg3[%add3A_57, %dma_wait3A_95, %dma_wait3A_96] : memref<64x785x784xf32, #tpu.memory_space<hbm>> -> memref<1x56x784xf32, #tpu.memory_space<hbm>>
    %dma_wait3A_98 = tpu.memref_squeeze %dma_wait3A_97 : memref<1x56x784xf32, #tpu.memory_space<hbm>> -> memref<56x784xf32, #tpu.memory_space<hbm>>
    %dma_wait3A_99 = arith.constant 0 : i32
    %dma_wait3A_100 = arith.constant 0 : i32
    %dma_wait3A_101 = tpu.memref_slice %arg4[%dma_wait3A, %dma_wait3A_99, %dma_wait3A_100] : memref<2x56x784xf32, #tpu.memory_space<vmem>> -> memref<1x56x784xf32, #tpu.memory_space<vmem>>
    %dma_wait3A_102 = tpu.memref_squeeze %dma_wait3A_101 : memref<1x56x784xf32, #tpu.memory_space<vmem>> -> memref<56x784xf32, #tpu.memory_space<vmem>>
    tpu.wait_dma2 semaphore(%dma_wait3A_94 : memref<!tpu.dma_semaphore, #tpu.memory_space<semaphore_mem>>) src(%dma_wait3A_102 : memref<56x784xf32, #tpu.memory_space<vmem>>) dst(%dma_wait3A_98 : memref<56x784xf32, #tpu.memory_space<hbm>>)
    %dma_start3A_103 = arith.constant 784 : i32
    %dma_start3A_104 = arith.constant 0 : i32
    %dma_start3A_105 = tpu.memref_slice %arg3[%add3A_57, %dma_start3A_103, %dma_start3A_104] : memref<64x785x784xf32, #tpu.memory_space<hbm>> -> memref<1x1x784xf32, #tpu.memory_space<hbm>>
    %dma_start3A_106 = tpu.memref_squeeze %dma_start3A_105 : memref<1x1x784xf32, #tpu.memory_space<hbm>> -> memref<1x784xf32, #tpu.memory_space<hbm>>
    %dma_start3A_107 = arith.constant 784 : i32
    %dma_start3A_108 = arith.constant 0 : i32
    %dma_start3A_109 = tpu.memref_slice %arg3[%add3A_57, %dma_start3A_107, %dma_start3A_108] : memref<64x785x784xf32, #tpu.memory_space<hbm>> -> memref<1x1x784xf32, #tpu.memory_space<hbm>>
    %dma_start3A_110 = tpu.memref_squeeze %dma_start3A_109 : memref<1x1x784xf32, #tpu.memory_space<hbm>> -> memref<1x784xf32, #tpu.memory_space<hbm>>
    tpu.enqueue_dma source(%arg5 : memref<1x784xf32, #tpu.memory_space<vmem>>) target(%dma_start3A_110 : memref<1x784xf32, #tpu.memory_space<hbm>>) target_semaphore(%arg8 : memref<!tpu.dma_semaphore, #tpu.memory_space<semaphore_mem>>)
    %mul3A_111 = arith.constant 2 : i32
    %mul3A_112 = arith.muli %add3A, %mul3A_111 : i32
    %add3A_113 = arith.constant 1 : i32
    %add3A_114 = arith.addi %mul3A_112, %add3A_113 : i32
    %scan3A_115 = arith.constant 0 : i32
    %scan3A_116 = arith.constant 0 : i32
    %scan3A_117 = arith.constant 49 : i32
    %scan3A_118 = arith.addi %scan3A_116, %scan3A_117 : i32
    %scan3A_119 = arith.constant 1 : i32
    %scan3A_120 = scf.for %scan3A_373 = %scan3A_116 to %scan3A_118 step %scan3A_119 iter_args(%scan3A_374 = %scan3A_115) -> (i32)  : i32 {
      %mul3A_375 = arith.constant 2 : i32
      %mul3A_376 = arith.muli %add3A, %mul3A_375 : i32
      %add3A_377 = arith.constant 1 : i32
      %add3A_378 = arith.addi %mul3A_376, %add3A_377 : i32
      %sub3A_379 = arith.subi %add3A_378, %mul3A_46 : i32
      %mul3A_380 = arith.constant 16 : i32
      %mul3A_381 = arith.muli %scan3A_373, %mul3A_380 : i32
      %get3A = arith.index_cast %sub3A_379 : i32 to index
      %get3A_382 = arith.index_cast %mul3A_381 : i32 to index
      %get3A_383 = tpu.vector_load %arg6[%get3A, %get3A_382] {strides = array<i32>} : memref<8x784xf32, #tpu.memory_space<vmem>>, vector<1x16xf32>,
      %get3A_384 = vector.shape_cast %get3A_383 : vector<1x16xf32> to vector<16xf32>
      %mul3A_385 = arith.constant 16 : i32
      %mul3A_386 = arith.muli %scan3A_373, %mul3A_385 : i32
      %swap3A_387 = arith.constant 0 : i32
      %swap3A_388 = arith.constant 0 : i32
      %swap3A_389 = arith.index_cast %swap3A_387 : i32 to index
      %swap3A_390 = arith.index_cast %swap3A_388 : i32 to index
      %swap3A_391 = arith.index_cast %mul3A_386 : i32 to index
      %swap3A_392 = tpu.vector_load %arg4[%swap3A_389, %swap3A_390, %swap3A_391] {strides = array<i32>} : memref<2x56x784xf32, #tpu.memory_space<vmem>>, vector<1x1x16xf32>,
      %swap3A_393 = vector.shape_cast %swap3A_392 : vector<1x1x16xf32> to vector<16xf32>
      %swap3A_394 = vector.shape_cast %get3A_384 : vector<16xf32> to vector<1x1x16xf32>
      tpu.vector_store %arg4[%swap3A_389, %swap3A_390, %swap3A_391], %swap3A_394 {strides = array<i32>} : memref<2x56x784xf32, #tpu.memory_space<vmem>>, vector<1x1x16xf32>,
      %scan3A_395 = arith.constant 0 : i32
      scf.yield %scan3A_395 : i32
    }
    %scan3A_121 = arith.constant 49 : i32
    %dma_start3A_122 = arith.constant 0 : i32
    %dma_start3A_123 = arith.constant 0 : i32
    %dma_start3A_124 = arith.constant 0 : i32
    %dma_start3A_125 = arith.constant 0 : i32
    %dma_start3A_126 = tpu.memref_slice %arg4[%dma_start3A_122, %dma_start3A_124, %dma_start3A_125] : memref<2x56x784xf32, #tpu.memory_space<vmem>> -> memref<1x56x784xf32, #tpu.memory_space<vmem>>
    %dma_start3A_127 = tpu.memref_squeeze %dma_start3A_126 : memref<1x56x784xf32, #tpu.memory_space<vmem>> -> memref<56x784xf32, #tpu.memory_space<vmem>>
    %dma_start3A_128 = arith.constant 0 : i32
    %dma_start3A_129 = arith.constant 0 : i32
    %dma_start3A_130 = tpu.memref_slice %arg3[%add3A_114, %dma_start3A_128, %dma_start3A_129] : memref<64x785x784xf32, #tpu.memory_space<hbm>> -> memref<1x56x784xf32, #tpu.memory_space<hbm>>
    %dma_start3A_131 = tpu.memref_squeeze %dma_start3A_130 : memref<1x56x784xf32, #tpu.memory_space<hbm>> -> memref<56x784xf32, #tpu.memory_space<hbm>>
    %dma_start3A_132 = tpu.memref_slice %arg7[%dma_start3A_123] : memref<2x!tpu.dma_semaphore, #tpu.memory_space<semaphore_mem>> -> memref<1x!tpu.dma_semaphore, #tpu.memory_space<semaphore_mem>>
    %dma_start3A_133 = tpu.memref_squeeze %dma_start3A_132 : memref<1x!tpu.dma_semaphore, #tpu.memory_space<semaphore_mem>> -> memref<!tpu.dma_semaphore, #tpu.memory_space<semaphore_mem>>
    %dma_start3A_134 = arith.constant 0 : i32
    %dma_start3A_135 = arith.constant 0 : i32
    %dma_start3A_136 = tpu.memref_slice %arg3[%add3A_114, %dma_start3A_134, %dma_start3A_135] : memref<64x785x784xf32, #tpu.memory_space<hbm>> -> memref<1x56x784xf32, #tpu.memory_space<hbm>>
    %dma_start3A_137 = tpu.memref_squeeze %dma_start3A_136 : memref<1x56x784xf32, #tpu.memory_space<hbm>> -> memref<56x784xf32, #tpu.memory_space<hbm>>
    %dma_start3A_138 = arith.constant 0 : i32
    %dma_start3A_139 = arith.constant 0 : i32
    %dma_start3A_140 = tpu.memref_slice %arg4[%dma_start3A_122, %dma_start3A_138, %dma_start3A_139] : memref<2x56x784xf32, #tpu.memory_space<vmem>> -> memref<1x56x784xf32, #tpu.memory_space<vmem>>
    %dma_start3A_141 = tpu.memref_squeeze %dma_start3A_140 : memref<1x56x784xf32, #tpu.memory_space<vmem>> -> memref<56x784xf32, #tpu.memory_space<vmem>>
    tpu.enqueue_dma source(%dma_start3A_141 : memref<56x784xf32, #tpu.memory_space<vmem>>) target(%dma_start3A_137 : memref<56x784xf32, #tpu.memory_space<hbm>>) target_semaphore(%dma_start3A_133 : memref<!tpu.dma_semaphore, #tpu.memory_space<semaphore_mem>>)
    %dma_wait3A_142 = arith.constant 0 : i32
    %dma_wait3A_143 = arith.constant 0 : i32
    %dma_wait3A_144 = arith.constant 0 : i32
    %dma_wait3A_145 = arith.constant 0 : i32
    %dma_wait3A_146 = tpu.memref_slice %arg4[%dma_wait3A_142, %dma_wait3A_144, %dma_wait3A_145] : memref<2x56x784xf32, #tpu.memory_space<vmem>> -> memref<1x56x784xf32, #tpu.memory_space<vmem>>
    %dma_wait3A_147 = tpu.memref_squeeze %dma_wait3A_146 : memref<1x56x784xf32, #tpu.memory_space<vmem>> -> memref<56x784xf32, #tpu.memory_space<vmem>>
    %dma_wait3A_148 = arith.constant 0 : i32
    %dma_wait3A_149 = arith.constant 0 : i32
    %dma_wait3A_150 = tpu.memref_slice %arg3[%add3A_114, %dma_wait3A_148, %dma_wait3A_149] : memref<64x785x784xf32, #tpu.memory_space<hbm>> -> memref<1x56x784xf32, #tpu.memory_space<hbm>>
    %dma_wait3A_151 = tpu.memref_squeeze %dma_wait3A_150 : memref<1x56x784xf32, #tpu.memory_space<hbm>> -> memref<56x784xf32, #tpu.memory_space<hbm>>
    %dma_wait3A_152 = tpu.memref_slice %arg7[%dma_wait3A_143] : memref<2x!tpu.dma_semaphore, #tpu.memory_space<semaphore_mem>> -> memref<1x!tpu.dma_semaphore, #tpu.memory_space<semaphore_mem>>
    %dma_wait3A_153 = tpu.memref_squeeze %dma_wait3A_152 : memref<1x!tpu.dma_semaphore, #tpu.memory_space<semaphore_mem>> -> memref<!tpu.dma_semaphore, #tpu.memory_space<semaphore_mem>>
    %dma_wait3A_154 = arith.constant 0 : i32
    %dma_wait3A_155 = arith.constant 0 : i32
    %dma_wait3A_156 = tpu.memref_slice %arg3[%add3A_114, %dma_wait3A_154, %dma_wait3A_155] : memref<64x785x784xf32, #tpu.memory_space<hbm>> -> memref<1x56x784xf32, #tpu.memory_space<hbm>>
    %dma_wait3A_157 = tpu.memref_squeeze %dma_wait3A_156 : memref<1x56x784xf32, #tpu.memory_space<hbm>> -> memref<56x784xf32, #tpu.memory_space<hbm>>
    %dma_wait3A_158 = arith.constant 0 : i32
    %dma_wait3A_159 = arith.constant 0 : i32
    %dma_wait3A_160 = tpu.memref_slice %arg4[%dma_wait3A_142, %dma_wait3A_158, %dma_wait3A_159] : memref<2x56x784xf32, #tpu.memory_space<vmem>> -> memref<1x56x784xf32, #tpu.memory_space<vmem>>
    %dma_wait3A_161 = tpu.memref_squeeze %dma_wait3A_160 : memref<1x56x784xf32, #tpu.memory_space<vmem>> -> memref<56x784xf32, #tpu.memory_space<vmem>>
    tpu.wait_dma2 semaphore(%dma_wait3A_153 : memref<!tpu.dma_semaphore, #tpu.memory_space<semaphore_mem>>) src(%dma_wait3A_161 : memref<56x784xf32, #tpu.memory_space<vmem>>) dst(%dma_wait3A_157 : memref<56x784xf32, #tpu.memory_space<hbm>>)
    %dma_start3A_162 = arith.constant 784 : i32
    %dma_start3A_163 = arith.constant 0 : i32
    %dma_start3A_164 = tpu.memref_slice %arg3[%add3A_114, %dma_start3A_162, %dma_start3A_163] : memref<64x785x784xf32, #tpu.memory_space<hbm>> -> memref<1x1x784xf32, #tpu.memory_space<hbm>>
    %dma_start3A_165 = tpu.memref_squeeze %dma_start3A_164 : memref<1x1x784xf32, #tpu.memory_space<hbm>> -> memref<1x784xf32, #tpu.memory_space<hbm>>
    %dma_start3A_166 = arith.constant 784 : i32
    %dma_start3A_167 = arith.constant 0 : i32
    %dma_start3A_168 = tpu.memref_slice %arg3[%add3A_114, %dma_start3A_166, %dma_start3A_167] : memref<64x785x784xf32, #tpu.memory_space<hbm>> -> memref<1x1x784xf32, #tpu.memory_space<hbm>>
    %dma_start3A_169 = tpu.memref_squeeze %dma_start3A_168 : memref<1x1x784xf32, #tpu.memory_space<hbm>> -> memref<1x784xf32, #tpu.memory_space<hbm>>
    tpu.enqueue_dma source(%arg5 : memref<1x784xf32, #tpu.memory_space<vmem>>) target(%dma_start3A_169 : memref<1x784xf32, #tpu.memory_space<hbm>>) target_semaphore(%arg8 : memref<!tpu.dma_semaphore, #tpu.memory_space<semaphore_mem>>)
    %scan3A_170 = arith.constant 0 : i32
    %scan3A_171 = arith.constant 1 : i32
    %scan3A_172 = arith.constant 55 : i32
    %scan3A_173 = arith.addi %scan3A_171, %scan3A_172 : i32
    %scan3A_174 = arith.constant 1 : i32
    %scan3A_175 = scf.for %scan3A_373 = %scan3A_171 to %scan3A_173 step %scan3A_174 iter_args(%scan3A_374 = %scan3A_170) -> (i32)  : i32 {
      %sub3A_375 = arith.constant 1 : i32
      %sub3A_376 = arith.subi %scan3A_373, %sub3A_375 : i32
      %jit3A_377 = arith.constant 16 : i32
      %div3A_378 = arith.divsi %sub3A_376, %jit3A_377 : i32
      %sign3A_379 = arith.constant 0 : i32
      %sign3A_380 = arith.cmpi sgt, %sub3A_376, %sign3A_379 : i32
      %sign3A_381 = arith.extui %sign3A_380 : i1 to i32
      %sign3A_382 = arith.constant 0 : i32
      %sign3A_383 = arith.cmpi slt, %sub3A_376, %sign3A_382 : i32
      %sign3A_384 = arith.extui %sign3A_383 : i1 to i32
      %sign3A_385 = arith.subi %sign3A_381, %sign3A_384 : i32
      %sign3A_386 = arith.constant 0 : i32
      %sign3A_387 = arith.cmpi sgt, %jit3A_377, %sign3A_386 : i32
      %sign3A_388 = arith.extui %sign3A_387 : i1 to i32
      %sign3A_389 = arith.constant 0 : i32
      %sign3A_390 = arith.cmpi slt, %jit3A_377, %sign3A_389 : i32
      %sign3A_391 = arith.extui %sign3A_390 : i1 to i32
      %sign3A_392 = arith.subi %sign3A_388, %sign3A_391 : i32
      %ne3A_393 = arith.cmpi ne, %sign3A_385, %sign3A_392 : i32
      %rem3A_394 = arith.remsi %sub3A_376, %jit3A_377 : i32
      %ne3A_395 = arith.constant 0 : i32
      %ne3A_396 = arith.cmpi ne, %rem3A_394, %ne3A_395 : i32
      %and3A_397 = arith.andi %ne3A_393, %ne3A_396 : i1
      %sub3A_398 = arith.constant 1 : i32
      %sub3A_399 = arith.subi %div3A_378, %sub3A_398 : i32
      %select_n3A_400 = arith.select %and3A_397, %sub3A_399, %div3A_378 : i32
      %mul3A_401 = arith.constant 16 : i32
      %mul3A_402 = arith.muli %select_n3A_400, %mul3A_401 : i32
      %swap3A_403 = arith.constant 0 : i32
      %swap3A_404 = arith.index_cast %swap3A_403 : i32 to index
      %swap3A_405 = arith.index_cast %scan3A_373 : i32 to index
      %swap3A_406 = arith.index_cast %mul3A_402 : i32 to index
      %swap3A_407 = tpu.vector_load %arg4[%swap3A_404, %swap3A_405, %swap3A_406] {strides = array<i32>} : memref<2x56x784xf32, #tpu.memory_space<vmem>>, vector<1x1x16xf32>,
      %swap3A_408 = vector.shape_cast %swap3A_407 : vector<1x1x16xf32> to vector<16xf32>
      %swap3A_409 = vector.shape_cast %broadcast_in_dim3A_1 : vector<16xf32> to vector<1x1x16xf32>
      tpu.vector_store %arg4[%swap3A_404, %swap3A_405, %swap3A_406], %swap3A_409 {strides = array<i32>} : memref<2x56x784xf32, #tpu.memory_space<vmem>>, vector<1x1x16xf32>,
      %scan3A_410 = arith.constant 0 : i32
      scf.yield %scan3A_410 : i32
    }
    %scan3A_176 = arith.constant 55 : i32
    %scan3A_177 = arith.constant 0 : i32
    %scan3A_178 = arith.constant 0 : i32
    %scan3A_179 = arith.constant 49 : i32
    %scan3A_180 = arith.addi %scan3A_178, %scan3A_179 : i32
    %scan3A_181 = arith.constant 1 : i32
    %scan3A_182 = scf.for %scan3A_373 = %scan3A_178 to %scan3A_180 step %scan3A_181 iter_args(%scan3A_374 = %scan3A_177) -> (i32)  : i32 {
      %mul3A_375 = arith.constant 16 : i32
      %mul3A_376 = arith.muli %scan3A_373, %mul3A_375 : i32
      %swap3A_377 = arith.constant 0 : i32
      %swap3A_378 = arith.constant 0 : i32
      %swap3A_379 = arith.index_cast %swap3A_377 : i32 to index
      %swap3A_380 = arith.index_cast %swap3A_378 : i32 to index
      %swap3A_381 = arith.index_cast %mul3A_376 : i32 to index
      %swap3A_382 = tpu.vector_load %arg4[%swap3A_379, %swap3A_380, %swap3A_381] {strides = array<i32>} : memref<2x56x784xf32, #tpu.memory_space<vmem>>, vector<1x1x16xf32>,
      %swap3A_383 = vector.shape_cast %swap3A_382 : vector<1x1x16xf32> to vector<16xf32>
      %swap3A_384 = vector.shape_cast %broadcast_in_dim3A_1 : vector<16xf32> to vector<1x1x16xf32>
      tpu.vector_store %arg4[%swap3A_379, %swap3A_380, %swap3A_381], %swap3A_384 {strides = array<i32>} : memref<2x56x784xf32, #tpu.memory_space<vmem>>, vector<1x1x16xf32>,
      %scan3A_385 = arith.constant 0 : i32
      scf.yield %scan3A_385 : i32
    }
    %scan3A_183 = arith.constant 49 : i32
    %scan3A_184 = arith.constant 0 : i32
    %scan3A_185 = arith.constant 0 : i32
    %scan3A_186 = arith.constant 6 : i32
    %scan3A_187 = arith.addi %scan3A_185, %scan3A_186 : i32
    %scan3A_188 = arith.constant 1 : i32
    %scan3A_189 = scf.for %scan3A_373 = %scan3A_185 to %scan3A_187 step %scan3A_188 iter_args(%scan3A_374 = %scan3A_184) -> (i32)  : i32 {
      %mul3A_375 = arith.constant 2 : i32
      %mul3A_376 = arith.muli %mul3A_375, %scan3A_373 : i32
      %add3A_377 = arith.constant 0 : i32
      %add3A_378 = arith.addi %mul3A_376, %add3A_377 : i32
      %add3A_379 = arith.constant 1 : i32
      %add3A_380 = arith.addi %add3A_378, %add3A_379 : i32
      %gt3A_381 = arith.constant 2 : i32
      %gt3A_382 = arith.cmpi sgt, %add3A_380, %gt3A_381 : i32
      %convert_element_type3A_383 = arith.extui %gt3A_382 : i1 to i32
      %cond3A_384 = arith.constant 0 : i32
      %cond3A_385 = arith.cmpi ne, %convert_element_type3A_383, %cond3A_384 : i32
      scf.if %cond3A_385 {
        %sub3A_508 = arith.constant 2 : i32
        %sub3A_509 = arith.subi %add3A_380, %sub3A_508 : i32
        %mul3A_510 = arith.constant 2 : i32
        %mul3A_511 = arith.muli %add3A, %mul3A_510 : i32
        %add3A_512 = arith.constant 0 : i32
        %add3A_513 = arith.addi %mul3A_511, %add3A_512 : i32
        %mul3A_514 = arith.constant 56 : i32
        %mul3A_515 = arith.muli %sub3A_509, %mul3A_514 : i32
        %dma_wait3A_516 = arith.constant 0 : i32
        %dma_wait3A_517 = arith.constant 0 : i32
        %dma_wait3A_518 = arith.constant 0 : i32
        %dma_wait3A_519 = arith.constant 0 : i32
        %dma_wait3A_520 = tpu.memref_slice %arg4[%dma_wait3A_516, %dma_wait3A_518, %dma_wait3A_519] : memref<2x56x784xf32, #tpu.memory_space<vmem>> -> memref<1x56x784xf32, #tpu.memory_space<vmem>>
        %dma_wait3A_521 = tpu.memref_squeeze %dma_wait3A_520 : memref<1x56x784xf32, #tpu.memory_space<vmem>> -> memref<56x784xf32, #tpu.memory_space<vmem>>
        %dma_wait3A_522 = arith.constant 0 : i32
        %dma_wait3A_523 = tpu.memref_slice %arg3[%add3A_513, %mul3A_515, %dma_wait3A_522] : memref<64x785x784xf32, #tpu.memory_space<hbm>> -> memref<1x56x784xf32, #tpu.memory_space<hbm>>
        %dma_wait3A_524 = tpu.memref_squeeze %dma_wait3A_523 : memref<1x56x784xf32, #tpu.memory_space<hbm>> -> memref<56x784xf32, #tpu.memory_space<hbm>>
        %dma_wait3A_525 = tpu.memref_slice %arg7[%dma_wait3A_517] : memref<2x!tpu.dma_semaphore, #tpu.memory_space<semaphore_mem>> -> memref<1x!tpu.dma_semaphore, #tpu.memory_space<semaphore_mem>>
        %dma_wait3A_526 = tpu.memref_squeeze %dma_wait3A_525 : memref<1x!tpu.dma_semaphore, #tpu.memory_space<semaphore_mem>> -> memref<!tpu.dma_semaphore, #tpu.memory_space<semaphore_mem>>
        %dma_wait3A_527 = arith.constant 0 : i32
        %dma_wait3A_528 = tpu.memref_slice %arg3[%add3A_513, %mul3A_515, %dma_wait3A_527] : memref<64x785x784xf32, #tpu.memory_space<hbm>> -> memref<1x56x784xf32, #tpu.memory_space<hbm>>
        %dma_wait3A_529 = tpu.memref_squeeze %dma_wait3A_528 : memref<1x56x784xf32, #tpu.memory_space<hbm>> -> memref<56x784xf32, #tpu.memory_space<hbm>>
        %dma_wait3A_530 = arith.constant 0 : i32
        %dma_wait3A_531 = arith.constant 0 : i32
        %dma_wait3A_532 = tpu.memref_slice %arg4[%dma_wait3A_516, %dma_wait3A_530, %dma_wait3A_531] : memref<2x56x784xf32, #tpu.memory_space<vmem>> -> memref<1x56x784xf32, #tpu.memory_space<vmem>>
        %dma_wait3A_533 = tpu.memref_squeeze %dma_wait3A_532 : memref<1x56x784xf32, #tpu.memory_space<vmem>> -> memref<56x784xf32, #tpu.memory_space<vmem>>
        tpu.wait_dma2 semaphore(%dma_wait3A_526 : memref<!tpu.dma_semaphore, #tpu.memory_space<semaphore_mem>>) src(%dma_wait3A_533 : memref<56x784xf32, #tpu.memory_space<vmem>>) dst(%dma_wait3A_529 : memref<56x784xf32, #tpu.memory_space<hbm>>)
        %mul3A_534 = arith.constant 2 : i32
        %mul3A_535 = arith.muli %add3A, %mul3A_534 : i32
        %add3A_536 = arith.constant 1 : i32
        %add3A_537 = arith.addi %mul3A_535, %add3A_536 : i32
        %mul3A_538 = arith.constant 56 : i32
        %mul3A_539 = arith.muli %sub3A_509, %mul3A_538 : i32
        %dma_wait3A_540 = arith.constant 0 : i32
        %dma_wait3A_541 = arith.constant 0 : i32
        %dma_wait3A_542 = arith.constant 0 : i32
        %dma_wait3A_543 = arith.constant 0 : i32
        %dma_wait3A_544 = tpu.memref_slice %arg4[%dma_wait3A_540, %dma_wait3A_542, %dma_wait3A_543] : memref<2x56x784xf32, #tpu.memory_space<vmem>> -> memref<1x56x784xf32, #tpu.memory_space<vmem>>
        %dma_wait3A_545 = tpu.memref_squeeze %dma_wait3A_544 : memref<1x56x784xf32, #tpu.memory_space<vmem>> -> memref<56x784xf32, #tpu.memory_space<vmem>>
        %dma_wait3A_546 = arith.constant 0 : i32
        %dma_wait3A_547 = tpu.memref_slice %arg3[%add3A_537, %mul3A_539, %dma_wait3A_546] : memref<64x785x784xf32, #tpu.memory_space<hbm>> -> memref<1x56x784xf32, #tpu.memory_space<hbm>>
        %dma_wait3A_548 = tpu.memref_squeeze %dma_wait3A_547 : memref<1x56x784xf32, #tpu.memory_space<hbm>> -> memref<56x784xf32, #tpu.memory_space<hbm>>
        %dma_wait3A_549 = tpu.memref_slice %arg7[%dma_wait3A_541] : memref<2x!tpu.dma_semaphore, #tpu.memory_space<semaphore_mem>> -> memref<1x!tpu.dma_semaphore, #tpu.memory_space<semaphore_mem>>
        %dma_wait3A_550 = tpu.memref_squeeze %dma_wait3A_549 : memref<1x!tpu.dma_semaphore, #tpu.memory_space<semaphore_mem>> -> memref<!tpu.dma_semaphore, #tpu.memory_space<semaphore_mem>>
        %dma_wait3A_551 = arith.constant 0 : i32
        %dma_wait3A_552 = tpu.memref_slice %arg3[%add3A_537, %mul3A_539, %dma_wait3A_551] : memref<64x785x784xf32, #tpu.memory_space<hbm>> -> memref<1x56x784xf32, #tpu.memory_space<hbm>>
        %dma_wait3A_553 = tpu.memref_squeeze %dma_wait3A_552 : memref<1x56x784xf32, #tpu.memory_space<hbm>> -> memref<56x784xf32, #tpu.memory_space<hbm>>
        %dma_wait3A_554 = arith.constant 0 : i32
        %dma_wait3A_555 = arith.constant 0 : i32
        %dma_wait3A_556 = tpu.memref_slice %arg4[%dma_wait3A_540, %dma_wait3A_554, %dma_wait3A_555] : memref<2x56x784xf32, #tpu.memory_space<vmem>> -> memref<1x56x784xf32, #tpu.memory_space<vmem>>
        %dma_wait3A_557 = tpu.memref_squeeze %dma_wait3A_556 : memref<1x56x784xf32, #tpu.memory_space<vmem>> -> memref<56x784xf32, #tpu.memory_space<vmem>>
        tpu.wait_dma2 semaphore(%dma_wait3A_550 : memref<!tpu.dma_semaphore, #tpu.memory_space<semaphore_mem>>) src(%dma_wait3A_557 : memref<56x784xf32, #tpu.memory_space<vmem>>) dst(%dma_wait3A_553 : memref<56x784xf32, #tpu.memory_space<hbm>>)
      } else {
      }
      %scan3A_386 = arith.constant 0 : i32
      %scan3A_387 = arith.constant 0 : i32
      %scan3A_388 = arith.constant 56 : i32
      %scan3A_389 = arith.addi %scan3A_387, %scan3A_388 : i32
      %scan3A_390 = arith.constant 1 : i32
      %scan3A_391 = scf.for %scan3A_508 = %scan3A_387 to %scan3A_389 step %scan3A_390 iter_args(%scan3A_509 = %scan3A_386) -> (i32)  : i32 {
        %mul3A_510 = arith.constant 56 : i32
        %mul3A_511 = arith.muli %add3A_380, %mul3A_510 : i32
        %add3A_512 = arith.addi %mul3A_511, %scan3A_508 : i32
        %sub3A_513 = arith.constant 1 : i32
        %sub3A_514 = arith.subi %add3A_512, %sub3A_513 : i32
        %sub3A_515 = arith.constant 112 : i32
        %sub3A_516 = arith.subi %sub3A_514, %sub3A_515 : i32
        %ge3A = arith.constant 0 : i32
        %ge3A_517 = arith.cmpi sge, %sub3A_516, %ge3A : i32
        %convert_element_type3A_518 = arith.extui %ge3A_517 : i1 to i32
        %cond3A_519 = arith.constant 0 : i32
        %cond3A_520 = arith.cmpi ne, %convert_element_type3A_518, %cond3A_519 : i32
        scf.if %cond3A_520 {
          %jit3A_577 = arith.constant 16 : i32
          %div3A_578 = arith.divsi %sub3A_516, %jit3A_577 : i32
          %sign3A_579 = arith.constant 0 : i32
          %sign3A_580 = arith.cmpi sgt, %sub3A_516, %sign3A_579 : i32
          %sign3A_581 = arith.extui %sign3A_580 : i1 to i32
          %sign3A_582 = arith.constant 0 : i32
          %sign3A_583 = arith.cmpi slt, %sub3A_516, %sign3A_582 : i32
          %sign3A_584 = arith.extui %sign3A_583 : i1 to i32
          %sign3A_585 = arith.subi %sign3A_581, %sign3A_584 : i32
          %sign3A_586 = arith.constant 0 : i32
          %sign3A_587 = arith.cmpi sgt, %jit3A_577, %sign3A_586 : i32
          %sign3A_588 = arith.extui %sign3A_587 : i1 to i32
          %sign3A_589 = arith.constant 0 : i32
          %sign3A_590 = arith.cmpi slt, %jit3A_577, %sign3A_589 : i32
          %sign3A_591 = arith.extui %sign3A_590 : i1 to i32
          %sign3A_592 = arith.subi %sign3A_588, %sign3A_591 : i32
          %ne3A_593 = arith.cmpi ne, %sign3A_585, %sign3A_592 : i32
          %rem3A_594 = arith.remsi %sub3A_516, %jit3A_577 : i32
          %ne3A_595 = arith.constant 0 : i32
          %ne3A_596 = arith.cmpi ne, %rem3A_594, %ne3A_595 : i32
          %and3A_597 = arith.andi %ne3A_593, %ne3A_596 : i1
          %sub3A_598 = arith.constant 1 : i32
          %sub3A_599 = arith.subi %div3A_578, %sub3A_598 : i32
          %select_n3A_600 = arith.select %and3A_597, %sub3A_599, %div3A_578 : i32
          %mul3A_601 = arith.constant 16 : i32
          %mul3A_602 = arith.muli %select_n3A_600, %mul3A_601 : i32
          %swap3A_603 = arith.constant 0 : i32
          %swap3A_604 = arith.index_cast %swap3A_603 : i32 to index
          %swap3A_605 = arith.index_cast %scan3A_508 : i32 to index
          %swap3A_606 = arith.index_cast %mul3A_602 : i32 to index
          %swap3A_607 = tpu.vector_load %arg4[%swap3A_604, %swap3A_605, %swap3A_606] {strides = array<i32>} : memref<2x56x784xf32, #tpu.memory_space<vmem>>, vector<1x1x16xf32>,
          %swap3A_608 = vector.shape_cast %swap3A_607 : vector<1x1x16xf32> to vector<16xf32>
          %swap3A_609 = vector.shape_cast %broadcast_in_dim3A_1 : vector<16xf32> to vector<1x1x16xf32>
          tpu.vector_store %arg4[%swap3A_604, %swap3A_605, %swap3A_606], %swap3A_609 {strides = array<i32>} : memref<2x56x784xf32, #tpu.memory_space<vmem>>, vector<1x1x16xf32>,
        } else {
        }
        %jit3A_521 = arith.constant 16 : i32
        %eq3A_522 = arith.constant 0 : i32
        %eq3A_523 = arith.cmpi eq, %jit3A_521, %eq3A_522 : i32
        %jit3A_524 = arith.constant 1 : i32
        %select_n3A_525 = arith.select %eq3A_523, %jit3A_524, %jit3A_521 : i32
        %rem3A_526 = arith.remsi %sub3A_514, %select_n3A_525 : i32
        %ne3A_527 = arith.constant 0 : i32
        %ne3A_528 = arith.cmpi ne, %rem3A_526, %ne3A_527 : i32
        %lt3A = arith.constant 0 : i32
        %lt3A_529 = arith.cmpi slt, %rem3A_526, %lt3A : i32
        %lt3A_530 = arith.constant 0 : i32
        %lt3A_531 = arith.cmpi slt, %select_n3A_525, %lt3A_530 : i32
        %ne3A_532 = arith.xori %lt3A_529, %lt3A_531 : i1
        %and3A_533 = arith.andi %ne3A_532, %ne3A_528 : i1
        %add3A_534 = arith.addi %rem3A_526, %select_n3A_525 : i32
        %select_n3A_535 = arith.select %and3A_533, %add3A_534, %rem3A_526 : i32
        %eq3A_536 = vector.broadcast %select_n3A_535 : i32 to vector<16xi32>
        %eq3A_537 = arith.cmpi eq, %iota3A, %eq3A_536 : vector<16xi32>
        %jit3A_538 = arith.constant 1.000000e-01 : f32
        %jit3A_539 = arith.constant 0.000000e+00 : f32
        %broadcast_in_dim3A_540 = vector.broadcast %jit3A_538 : f32 to vector<16xf32>
        %broadcast_in_dim3A_541 = vector.broadcast %jit3A_539 : f32 to vector<16xf32>
        %select_n3A_542 = arith.select %eq3A_537, %broadcast_in_dim3A_540, %broadcast_in_dim3A_541 : vector<16xi1>, vector<16xf32>
        %jit3A_543 = arith.constant 16 : i32
        %div3A_544 = arith.divsi %sub3A_514, %jit3A_543 : i32
        %sign3A_545 = arith.constant 0 : i32
        %sign3A_546 = arith.cmpi sgt, %sub3A_514, %sign3A_545 : i32
        %sign3A_547 = arith.extui %sign3A_546 : i1 to i32
        %sign3A_548 = arith.constant 0 : i32
        %sign3A_549 = arith.cmpi slt, %sub3A_514, %sign3A_548 : i32
        %sign3A_550 = arith.extui %sign3A_549 : i1 to i32
        %sign3A_551 = arith.subi %sign3A_547, %sign3A_550 : i32
        %sign3A_552 = arith.constant 0 : i32
        %sign3A_553 = arith.cmpi sgt, %jit3A_543, %sign3A_552 : i32
        %sign3A_554 = arith.extui %sign3A_553 : i1 to i32
        %sign3A_555 = arith.constant 0 : i32
        %sign3A_556 = arith.cmpi slt, %jit3A_543, %sign3A_555 : i32
        %sign3A_557 = arith.extui %sign3A_556 : i1 to i32
        %sign3A_558 = arith.subi %sign3A_554, %sign3A_557 : i32
        %ne3A_559 = arith.cmpi ne, %sign3A_551, %sign3A_558 : i32
        %rem3A_560 = arith.remsi %sub3A_514, %jit3A_543 : i32
        %ne3A_561 = arith.constant 0 : i32
        %ne3A_562 = arith.cmpi ne, %rem3A_560, %ne3A_561 : i32
        %and3A_563 = arith.andi %ne3A_559, %ne3A_562 : i1
        %sub3A_564 = arith.constant 1 : i32
        %sub3A_565 = arith.subi %div3A_544, %sub3A_564 : i32
        %select_n3A_566 = arith.select %and3A_563, %sub3A_565, %div3A_544 : i32
        %mul3A_567 = arith.constant 16 : i32
        %mul3A_568 = arith.muli %select_n3A_566, %mul3A_567 : i32
        %swap3A_569 = arith.constant 0 : i32
        %swap3A_570 = arith.index_cast %swap3A_569 : i32 to index
        %swap3A_571 = arith.index_cast %scan3A_508 : i32 to index
        %swap3A_572 = arith.index_cast %mul3A_568 : i32 to index
        %swap3A_573 = tpu.vector_load %arg4[%swap3A_570, %swap3A_571, %swap3A_572] {strides = array<i32>} : memref<2x56x784xf32, #tpu.memory_space<vmem>>, vector<1x1x16xf32>,
        %swap3A_574 = vector.shape_cast %swap3A_573 : vector<1x1x16xf32> to vector<16xf32>
        %swap3A_575 = vector.shape_cast %select_n3A_542 : vector<16xf32> to vector<1x1x16xf32>
        tpu.vector_store %arg4[%swap3A_570, %swap3A_571, %swap3A_572], %swap3A_575 {strides = array<i32>} : memref<2x56x784xf32, #tpu.memory_space<vmem>>, vector<1x1x16xf32>,
        %scan3A_576 = arith.constant 0 : i32
        scf.yield %scan3A_576 : i32
      }
      %scan3A_392 = arith.constant 56 : i32
      %mul3A_393 = arith.constant 2 : i32
      %mul3A_394 = arith.muli %add3A, %mul3A_393 : i32
      %add3A_395 = arith.constant 0 : i32
      %add3A_396 = arith.addi %mul3A_394, %add3A_395 : i32
      %mul3A_397 = arith.constant 56 : i32
      %mul3A_398 = arith.muli %add3A_380, %mul3A_397 : i32
      %dma_start3A_399 = arith.constant 0 : i32
      %dma_start3A_400 = arith.constant 0 : i32
      %dma_start3A_401 = arith.constant 0 : i32
      %dma_start3A_402 = arith.constant 0 : i32
      %dma_start3A_403 = tpu.memref_slice %arg4[%dma_start3A_399, %dma_start3A_401, %dma_start3A_402] : memref<2x56x784xf32, #tpu.memory_space<vmem>> -> memref<1x56x784xf32, #tpu.memory_space<vmem>>
      %dma_start3A_404 = tpu.memref_squeeze %dma_start3A_403 : memref<1x56x784xf32, #tpu.memory_space<vmem>> -> memref<56x784xf32, #tpu.memory_space<vmem>>
      %dma_start3A_405 = arith.constant 0 : i32
      %dma_start3A_406 = tpu.memref_slice %arg3[%add3A_396, %mul3A_398, %dma_start3A_405] : memref<64x785x784xf32, #tpu.memory_space<hbm>> -> memref<1x56x784xf32, #tpu.memory_space<hbm>>
      %dma_start3A_407 = tpu.memref_squeeze %dma_start3A_406 : memref<1x56x784xf32, #tpu.memory_space<hbm>> -> memref<56x784xf32, #tpu.memory_space<hbm>>
      %dma_start3A_408 = tpu.memref_slice %arg7[%dma_start3A_400] : memref<2x!tpu.dma_semaphore, #tpu.memory_space<semaphore_mem>> -> memref<1x!tpu.dma_semaphore, #tpu.memory_space<semaphore_mem>>
      %dma_start3A_409 = tpu.memref_squeeze %dma_start3A_408 : memref<1x!tpu.dma_semaphore, #tpu.memory_space<semaphore_mem>> -> memref<!tpu.dma_semaphore, #tpu.memory_space<semaphore_mem>>
      %dma_start3A_410 = arith.constant 0 : i32
      %dma_start3A_411 = tpu.memref_slice %arg3[%add3A_396, %mul3A_398, %dma_start3A_410] : memref<64x785x784xf32, #tpu.memory_space<hbm>> -> memref<1x56x784xf32, #tpu.memory_space<hbm>>
      %dma_start3A_412 = tpu.memref_squeeze %dma_start3A_411 : memref<1x56x784xf32, #tpu.memory_space<hbm>> -> memref<56x784xf32, #tpu.memory_space<hbm>>
      %dma_start3A_413 = arith.constant 0 : i32
      %dma_start3A_414 = arith.constant 0 : i32
      %dma_start3A_415 = tpu.memref_slice %arg4[%dma_start3A_399, %dma_start3A_413, %dma_start3A_414] : memref<2x56x784xf32, #tpu.memory_space<vmem>> -> memref<1x56x784xf32, #tpu.memory_space<vmem>>
      %dma_start3A_416 = tpu.memref_squeeze %dma_start3A_415 : memref<1x56x784xf32, #tpu.memory_space<vmem>> -> memref<56x784xf32, #tpu.memory_space<vmem>>
      tpu.enqueue_dma source(%dma_start3A_416 : memref<56x784xf32, #tpu.memory_space<vmem>>) target(%dma_start3A_412 : memref<56x784xf32, #tpu.memory_space<hbm>>) target_semaphore(%dma_start3A_409 : memref<!tpu.dma_semaphore, #tpu.memory_space<semaphore_mem>>)
      %mul3A_417 = arith.constant 2 : i32
      %mul3A_418 = arith.muli %add3A, %mul3A_417 : i32
      %add3A_419 = arith.constant 1 : i32
      %add3A_420 = arith.addi %mul3A_418, %add3A_419 : i32
      %mul3A_421 = arith.constant 56 : i32
      %mul3A_422 = arith.muli %add3A_380, %mul3A_421 : i32
      %dma_start3A_423 = arith.constant 0 : i32
      %dma_start3A_424 = arith.constant 0 : i32
      %dma_start3A_425 = arith.constant 0 : i32
      %dma_start3A_426 = arith.constant 0 : i32
      %dma_start3A_427 = tpu.memref_slice %arg4[%dma_start3A_423, %dma_start3A_425, %dma_start3A_426] : memref<2x56x784xf32, #tpu.memory_space<vmem>> -> memref<1x56x784xf32, #tpu.memory_space<vmem>>
      %dma_start3A_428 = tpu.memref_squeeze %dma_start3A_427 : memref<1x56x784xf32, #tpu.memory_space<vmem>> -> memref<56x784xf32, #tpu.memory_space<vmem>>
      %dma_start3A_429 = arith.constant 0 : i32
      %dma_start3A_430 = tpu.memref_slice %arg3[%add3A_420, %mul3A_422, %dma_start3A_429] : memref<64x785x784xf32, #tpu.memory_space<hbm>> -> memref<1x56x784xf32, #tpu.memory_space<hbm>>
      %dma_start3A_431 = tpu.memref_squeeze %dma_start3A_430 : memref<1x56x784xf32, #tpu.memory_space<hbm>> -> memref<56x784xf32, #tpu.memory_space<hbm>>
      %dma_start3A_432 = tpu.memref_slice %arg7[%dma_start3A_424] : memref<2x!tpu.dma_semaphore, #tpu.memory_space<semaphore_mem>> -> memref<1x!tpu.dma_semaphore, #tpu.memory_space<semaphore_mem>>
      %dma_start3A_433 = tpu.memref_squeeze %dma_start3A_432 : memref<1x!tpu.dma_semaphore, #tpu.memory_space<semaphore_mem>> -> memref<!tpu.dma_semaphore, #tpu.memory_space<semaphore_mem>>
      %dma_start3A_434 = arith.constant 0 : i32
      %dma_start3A_435 = tpu.memref_slice %arg3[%add3A_420, %mul3A_422, %dma_start3A_434] : memref<64x785x784xf32, #tpu.memory_space<hbm>> -> memref<1x56x784xf32, #tpu.memory_space<hbm>>
      %dma_start3A_436 = tpu.memref_squeeze %dma_start3A_435 : memref<1x56x784xf32, #tpu.memory_space<hbm>> -> memref<56x784xf32, #tpu.memory_space<hbm>>
      %dma_start3A_437 = arith.constant 0 : i32
      %dma_start3A_438 = arith.constant 0 : i32
      %dma_start3A_439 = tpu.memref_slice %arg4[%dma_start3A_423, %dma_start3A_437, %dma_start3A_438] : memref<2x56x784xf32, #tpu.memory_space<vmem>> -> memref<1x56x784xf32, #tpu.memory_space<vmem>>
      %dma_start3A_440 = tpu.memref_squeeze %dma_start3A_439 : memref<1x56x784xf32, #tpu.memory_space<vmem>> -> memref<56x784xf32, #tpu.memory_space<vmem>>
      tpu.enqueue_dma source(%dma_start3A_440 : memref<56x784xf32, #tpu.memory_space<vmem>>) target(%dma_start3A_436 : memref<56x784xf32, #tpu.memory_space<hbm>>) target_semaphore(%dma_start3A_433 : memref<!tpu.dma_semaphore, #tpu.memory_space<semaphore_mem>>)
      %mul3A_441 = arith.constant 2 : i32
      %mul3A_442 = arith.muli %mul3A_441, %scan3A_373 : i32
      %add3A_443 = arith.constant 1 : i32
      %add3A_444 = arith.addi %mul3A_442, %add3A_443 : i32
      %add3A_445 = arith.constant 1 : i32
      %add3A_446 = arith.addi %add3A_444, %add3A_445 : i32
      %gt3A_447 = arith.constant 2 : i32
      %gt3A_448 = arith.cmpi sgt, %add3A_446, %gt3A_447 : i32
      %convert_element_type3A_449 = arith.extui %gt3A_448 : i1 to i32
      %cond3A_450 = arith.constant 0 : i32
      %cond3A_451 = arith.cmpi ne, %convert_element_type3A_449, %cond3A_450 : i32
      scf.if %cond3A_451 {
        %sub3A_508 = arith.constant 2 : i32
        %sub3A_509 = arith.subi %add3A_446, %sub3A_508 : i32
        %mul3A_510 = arith.constant 2 : i32
        %mul3A_511 = arith.muli %add3A, %mul3A_510 : i32
        %add3A_512 = arith.constant 0 : i32
        %add3A_513 = arith.addi %mul3A_511, %add3A_512 : i32
        %mul3A_514 = arith.constant 56 : i32
        %mul3A_515 = arith.muli %sub3A_509, %mul3A_514 : i32
        %dma_wait3A_516 = arith.constant 1 : i32
        %dma_wait3A_517 = arith.constant 1 : i32
        %dma_wait3A_518 = arith.constant 0 : i32
        %dma_wait3A_519 = arith.constant 0 : i32
        %dma_wait3A_520 = tpu.memref_slice %arg4[%dma_wait3A_516, %dma_wait3A_518, %dma_wait3A_519] : memref<2x56x784xf32, #tpu.memory_space<vmem>> -> memref<1x56x784xf32, #tpu.memory_space<vmem>>
        %dma_wait3A_521 = tpu.memref_squeeze %dma_wait3A_520 : memref<1x56x784xf32, #tpu.memory_space<vmem>> -> memref<56x784xf32, #tpu.memory_space<vmem>>
        %dma_wait3A_522 = arith.constant 0 : i32
        %dma_wait3A_523 = tpu.memref_slice %arg3[%add3A_513, %mul3A_515, %dma_wait3A_522] : memref<64x785x784xf32, #tpu.memory_space<hbm>> -> memref<1x56x784xf32, #tpu.memory_space<hbm>>
        %dma_wait3A_524 = tpu.memref_squeeze %dma_wait3A_523 : memref<1x56x784xf32, #tpu.memory_space<hbm>> -> memref<56x784xf32, #tpu.memory_space<hbm>>
        %dma_wait3A_525 = tpu.memref_slice %arg7[%dma_wait3A_517] : memref<2x!tpu.dma_semaphore, #tpu.memory_space<semaphore_mem>> -> memref<1x!tpu.dma_semaphore, #tpu.memory_space<semaphore_mem>>
        %dma_wait3A_526 = tpu.memref_squeeze %dma_wait3A_525 : memref<1x!tpu.dma_semaphore, #tpu.memory_space<semaphore_mem>> -> memref<!tpu.dma_semaphore, #tpu.memory_space<semaphore_mem>>
        %dma_wait3A_527 = arith.constant 0 : i32
        %dma_wait3A_528 = tpu.memref_slice %arg3[%add3A_513, %mul3A_515, %dma_wait3A_527] : memref<64x785x784xf32, #tpu.memory_space<hbm>> -> memref<1x56x784xf32, #tpu.memory_space<hbm>>
        %dma_wait3A_529 = tpu.memref_squeeze %dma_wait3A_528 : memref<1x56x784xf32, #tpu.memory_space<hbm>> -> memref<56x784xf32, #tpu.memory_space<hbm>>
        %dma_wait3A_530 = arith.constant 0 : i32
        %dma_wait3A_531 = arith.constant 0 : i32
        %dma_wait3A_532 = tpu.memref_slice %arg4[%dma_wait3A_516, %dma_wait3A_530, %dma_wait3A_531] : memref<2x56x784xf32, #tpu.memory_space<vmem>> -> memref<1x56x784xf32, #tpu.memory_space<vmem>>
        %dma_wait3A_533 = tpu.memref_squeeze %dma_wait3A_532 : memref<1x56x784xf32, #tpu.memory_space<vmem>> -> memref<56x784xf32, #tpu.memory_space<vmem>>
        tpu.wait_dma2 semaphore(%dma_wait3A_526 : memref<!tpu.dma_semaphore, #tpu.memory_space<semaphore_mem>>) src(%dma_wait3A_533 : memref<56x784xf32, #tpu.memory_space<vmem>>) dst(%dma_wait3A_529 : memref<56x784xf32, #tpu.memory_space<hbm>>)
        %mul3A_534 = arith.constant 2 : i32
        %mul3A_535 = arith.muli %add3A, %mul3A_534 : i32
        %add3A_536 = arith.constant 1 : i32
        %add3A_537 = arith.addi %mul3A_535, %add3A_536 : i32
        %mul3A_538 = arith.constant 56 : i32
        %mul3A_539 = arith.muli %sub3A_509, %mul3A_538 : i32
        %dma_wait3A_540 = arith.constant 1 : i32
        %dma_wait3A_541 = arith.constant 1 : i32
        %dma_wait3A_542 = arith.constant 0 : i32
        %dma_wait3A_543 = arith.constant 0 : i32
        %dma_wait3A_544 = tpu.memref_slice %arg4[%dma_wait3A_540, %dma_wait3A_542, %dma_wait3A_543] : memref<2x56x784xf32, #tpu.memory_space<vmem>> -> memref<1x56x784xf32, #tpu.memory_space<vmem>>
        %dma_wait3A_545 = tpu.memref_squeeze %dma_wait3A_544 : memref<1x56x784xf32, #tpu.memory_space<vmem>> -> memref<56x784xf32, #tpu.memory_space<vmem>>
        %dma_wait3A_546 = arith.constant 0 : i32
        %dma_wait3A_547 = tpu.memref_slice %arg3[%add3A_537, %mul3A_539, %dma_wait3A_546] : memref<64x785x784xf32, #tpu.memory_space<hbm>> -> memref<1x56x784xf32, #tpu.memory_space<hbm>>
        %dma_wait3A_548 = tpu.memref_squeeze %dma_wait3A_547 : memref<1x56x784xf32, #tpu.memory_space<hbm>> -> memref<56x784xf32, #tpu.memory_space<hbm>>
        %dma_wait3A_549 = tpu.memref_slice %arg7[%dma_wait3A_541] : memref<2x!tpu.dma_semaphore, #tpu.memory_space<semaphore_mem>> -> memref<1x!tpu.dma_semaphore, #tpu.memory_space<semaphore_mem>>
        %dma_wait3A_550 = tpu.memref_squeeze %dma_wait3A_549 : memref<1x!tpu.dma_semaphore, #tpu.memory_space<semaphore_mem>> -> memref<!tpu.dma_semaphore, #tpu.memory_space<semaphore_mem>>
        %dma_wait3A_551 = arith.constant 0 : i32
        %dma_wait3A_552 = tpu.memref_slice %arg3[%add3A_537, %mul3A_539, %dma_wait3A_551] : memref<64x785x784xf32, #tpu.memory_space<hbm>> -> memref<1x56x784xf32, #tpu.memory_space<hbm>>
        %dma_wait3A_553 = tpu.memref_squeeze %dma_wait3A_552 : memref<1x56x784xf32, #tpu.memory_space<hbm>> -> memref<56x784xf32, #tpu.memory_space<hbm>>
        %dma_wait3A_554 = arith.constant 0 : i32
        %dma_wait3A_555 = arith.constant 0 : i32
        %dma_wait3A_556 = tpu.memref_slice %arg4[%dma_wait3A_540, %dma_wait3A_554, %dma_wait3A_555] : memref<2x56x784xf32, #tpu.memory_space<vmem>> -> memref<1x56x784xf32, #tpu.memory_space<vmem>>
        %dma_wait3A_557 = tpu.memref_squeeze %dma_wait3A_556 : memref<1x56x784xf32, #tpu.memory_space<vmem>> -> memref<56x784xf32, #tpu.memory_space<vmem>>
        tpu.wait_dma2 semaphore(%dma_wait3A_550 : memref<!tpu.dma_semaphore, #tpu.memory_space<semaphore_mem>>) src(%dma_wait3A_557 : memref<56x784xf32, #tpu.memory_space<vmem>>) dst(%dma_wait3A_553 : memref<56x784xf32, #tpu.memory_space<hbm>>)
      } else {
      }
      %scan3A_452 = arith.constant 0 : i32
      %scan3A_453 = arith.constant 0 : i32
      %scan3A_454 = arith.constant 56 : i32
      %scan3A_455 = arith.addi %scan3A_453, %scan3A_454 : i32
      %scan3A_456 = arith.constant 1 : i32
      %scan3A_457 = scf.for %scan3A_508 = %scan3A_453 to %scan3A_455 step %scan3A_456 iter_args(%scan3A_509 = %scan3A_452) -> (i32)  : i32 {
        %mul3A_510 = arith.constant 56 : i32
        %mul3A_511 = arith.muli %add3A_446, %mul3A_510 : i32
        %add3A_512 = arith.addi %mul3A_511, %scan3A_508 : i32
        %sub3A_513 = arith.constant 1 : i32
        %sub3A_514 = arith.subi %add3A_512, %sub3A_513 : i32
        %sub3A_515 = arith.constant 112 : i32
        %sub3A_516 = arith.subi %sub3A_514, %sub3A_515 : i32
        %ge3A = arith.constant 0 : i32
        %ge3A_517 = arith.cmpi sge, %sub3A_516, %ge3A : i32
        %convert_element_type3A_518 = arith.extui %ge3A_517 : i1 to i32
        %cond3A_519 = arith.constant 0 : i32
        %cond3A_520 = arith.cmpi ne, %convert_element_type3A_518, %cond3A_519 : i32
        scf.if %cond3A_520 {
          %jit3A_577 = arith.constant 16 : i32
          %div3A_578 = arith.divsi %sub3A_516, %jit3A_577 : i32
          %sign3A_579 = arith.constant 0 : i32
          %sign3A_580 = arith.cmpi sgt, %sub3A_516, %sign3A_579 : i32
          %sign3A_581 = arith.extui %sign3A_580 : i1 to i32
          %sign3A_582 = arith.constant 0 : i32
          %sign3A_583 = arith.cmpi slt, %sub3A_516, %sign3A_582 : i32
          %sign3A_584 = arith.extui %sign3A_583 : i1 to i32
          %sign3A_585 = arith.subi %sign3A_581, %sign3A_584 : i32
          %sign3A_586 = arith.constant 0 : i32
          %sign3A_587 = arith.cmpi sgt, %jit3A_577, %sign3A_586 : i32
          %sign3A_588 = arith.extui %sign3A_587 : i1 to i32
          %sign3A_589 = arith.constant 0 : i32
          %sign3A_590 = arith.cmpi slt, %jit3A_577, %sign3A_589 : i32
          %sign3A_591 = arith.extui %sign3A_590 : i1 to i32
          %sign3A_592 = arith.subi %sign3A_588, %sign3A_591 : i32
          %ne3A_593 = arith.cmpi ne, %sign3A_585, %sign3A_592 : i32
          %rem3A_594 = arith.remsi %sub3A_516, %jit3A_577 : i32
          %ne3A_595 = arith.constant 0 : i32
          %ne3A_596 = arith.cmpi ne, %rem3A_594, %ne3A_595 : i32
          %and3A_597 = arith.andi %ne3A_593, %ne3A_596 : i1
          %sub3A_598 = arith.constant 1 : i32
          %sub3A_599 = arith.subi %div3A_578, %sub3A_598 : i32
          %select_n3A_600 = arith.select %and3A_597, %sub3A_599, %div3A_578 : i32
          %mul3A_601 = arith.constant 16 : i32
          %mul3A_602 = arith.muli %select_n3A_600, %mul3A_601 : i32
          %swap3A_603 = arith.constant 1 : i32
          %swap3A_604 = arith.index_cast %swap3A_603 : i32 to index
          %swap3A_605 = arith.index_cast %scan3A_508 : i32 to index
          %swap3A_606 = arith.index_cast %mul3A_602 : i32 to index
          %swap3A_607 = tpu.vector_load %arg4[%swap3A_604, %swap3A_605, %swap3A_606] {strides = array<i32>} : memref<2x56x784xf32, #tpu.memory_space<vmem>>, vector<1x1x16xf32>,
          %swap3A_608 = vector.shape_cast %swap3A_607 : vector<1x1x16xf32> to vector<16xf32>
          %swap3A_609 = vector.shape_cast %broadcast_in_dim3A_1 : vector<16xf32> to vector<1x1x16xf32>
          tpu.vector_store %arg4[%swap3A_604, %swap3A_605, %swap3A_606], %swap3A_609 {strides = array<i32>} : memref<2x56x784xf32, #tpu.memory_space<vmem>>, vector<1x1x16xf32>,
        } else {
        }
        %jit3A_521 = arith.constant 16 : i32
        %eq3A_522 = arith.constant 0 : i32
        %eq3A_523 = arith.cmpi eq, %jit3A_521, %eq3A_522 : i32
        %jit3A_524 = arith.constant 1 : i32
        %select_n3A_525 = arith.select %eq3A_523, %jit3A_524, %jit3A_521 : i32
        %rem3A_526 = arith.remsi %sub3A_514, %select_n3A_525 : i32
        %ne3A_527 = arith.constant 0 : i32
        %ne3A_528 = arith.cmpi ne, %rem3A_526, %ne3A_527 : i32
        %lt3A = arith.constant 0 : i32
        %lt3A_529 = arith.cmpi slt, %rem3A_526, %lt3A : i32
        %lt3A_530 = arith.constant 0 : i32
        %lt3A_531 = arith.cmpi slt, %select_n3A_525, %lt3A_530 : i32
        %ne3A_532 = arith.xori %lt3A_529, %lt3A_531 : i1
        %and3A_533 = arith.andi %ne3A_532, %ne3A_528 : i1
        %add3A_534 = arith.addi %rem3A_526, %select_n3A_525 : i32
        %select_n3A_535 = arith.select %and3A_533, %add3A_534, %rem3A_526 : i32
        %eq3A_536 = vector.broadcast %select_n3A_535 : i32 to vector<16xi32>
        %eq3A_537 = arith.cmpi eq, %iota3A, %eq3A_536 : vector<16xi32>
        %jit3A_538 = arith.constant 1.000000e-01 : f32
        %jit3A_539 = arith.constant 0.000000e+00 : f32
        %broadcast_in_dim3A_540 = vector.broadcast %jit3A_538 : f32 to vector<16xf32>
        %broadcast_in_dim3A_541 = vector.broadcast %jit3A_539 : f32 to vector<16xf32>
        %select_n3A_542 = arith.select %eq3A_537, %broadcast_in_dim3A_540, %broadcast_in_dim3A_541 : vector<16xi1>, vector<16xf32>
        %jit3A_543 = arith.constant 16 : i32
        %div3A_544 = arith.divsi %sub3A_514, %jit3A_543 : i32
        %sign3A_545 = arith.constant 0 : i32
        %sign3A_546 = arith.cmpi sgt, %sub3A_514, %sign3A_545 : i32
        %sign3A_547 = arith.extui %sign3A_546 : i1 to i32
        %sign3A_548 = arith.constant 0 : i32
        %sign3A_549 = arith.cmpi slt, %sub3A_514, %sign3A_548 : i32
        %sign3A_550 = arith.extui %sign3A_549 : i1 to i32
        %sign3A_551 = arith.subi %sign3A_547, %sign3A_550 : i32
        %sign3A_552 = arith.constant 0 : i32
        %sign3A_553 = arith.cmpi sgt, %jit3A_543, %sign3A_552 : i32
        %sign3A_554 = arith.extui %sign3A_553 : i1 to i32
        %sign3A_555 = arith.constant 0 : i32
        %sign3A_556 = arith.cmpi slt, %jit3A_543, %sign3A_555 : i32
        %sign3A_557 = arith.extui %sign3A_556 : i1 to i32
        %sign3A_558 = arith.subi %sign3A_554, %sign3A_557 : i32
        %ne3A_559 = arith.cmpi ne, %sign3A_551, %sign3A_558 : i32
        %rem3A_560 = arith.remsi %sub3A_514, %jit3A_543 : i32
        %ne3A_561 = arith.constant 0 : i32
        %ne3A_562 = arith.cmpi ne, %rem3A_560, %ne3A_561 : i32
        %and3A_563 = arith.andi %ne3A_559, %ne3A_562 : i1
        %sub3A_564 = arith.constant 1 : i32
        %sub3A_565 = arith.subi %div3A_544, %sub3A_564 : i32
        %select_n3A_566 = arith.select %and3A_563, %sub3A_565, %div3A_544 : i32
        %mul3A_567 = arith.constant 16 : i32
        %mul3A_568 = arith.muli %select_n3A_566, %mul3A_567 : i32
        %swap3A_569 = arith.constant 1 : i32
        %swap3A_570 = arith.index_cast %swap3A_569 : i32 to index
        %swap3A_571 = arith.index_cast %scan3A_508 : i32 to index
        %swap3A_572 = arith.index_cast %mul3A_568 : i32 to index
        %swap3A_573 = tpu.vector_load %arg4[%swap3A_570, %swap3A_571, %swap3A_572] {strides = array<i32>} : memref<2x56x784xf32, #tpu.memory_space<vmem>>, vector<1x1x16xf32>,
        %swap3A_574 = vector.shape_cast %swap3A_573 : vector<1x1x16xf32> to vector<16xf32>
        %swap3A_575 = vector.shape_cast %select_n3A_542 : vector<16xf32> to vector<1x1x16xf32>
        tpu.vector_store %arg4[%swap3A_570, %swap3A_571, %swap3A_572], %swap3A_575 {strides = array<i32>} : memref<2x56x784xf32, #tpu.memory_space<vmem>>, vector<1x1x16xf32>,
        %scan3A_576 = arith.constant 0 : i32
        scf.yield %scan3A_576 : i32
      }
      %scan3A_458 = arith.constant 56 : i32
      %mul3A_459 = arith.constant 2 : i32
      %mul3A_460 = arith.muli %add3A, %mul3A_459 : i32
      %add3A_461 = arith.constant 0 : i32
      %add3A_462 = arith.addi %mul3A_460, %add3A_461 : i32
      %mul3A_463 = arith.constant 56 : i32
      %mul3A_464 = arith.muli %add3A_446, %mul3A_463 : i32
      %dma_start3A_465 = arith.constant 1 : i32
      %dma_start3A_466 = arith.constant 1 : i32
      %dma_start3A_467 = arith.constant 0 : i32
      %dma_start3A_468 = arith.constant 0 : i32
      %dma_start3A_469 = tpu.memref_slice %arg4[%dma_start3A_465, %dma_start3A_467, %dma_start3A_468] : memref<2x56x784xf32, #tpu.memory_space<vmem>> -> memref<1x56x784xf32, #tpu.memory_space<vmem>>
      %dma_start3A_470 = tpu.memref_squeeze %dma_start3A_469 : memref<1x56x784xf32, #tpu.memory_space<vmem>> -> memref<56x784xf32, #tpu.memory_space<vmem>>
      %dma_start3A_471 = arith.constant 0 : i32
      %dma_start3A_472 = tpu.memref_slice %arg3[%add3A_462, %mul3A_464, %dma_start3A_471] : memref<64x785x784xf32, #tpu.memory_space<hbm>> -> memref<1x56x784xf32, #tpu.memory_space<hbm>>
      %dma_start3A_473 = tpu.memref_squeeze %dma_start3A_472 : memref<1x56x784xf32, #tpu.memory_space<hbm>> -> memref<56x784xf32, #tpu.memory_space<hbm>>
      %dma_start3A_474 = tpu.memref_slice %arg7[%dma_start3A_466] : memref<2x!tpu.dma_semaphore, #tpu.memory_space<semaphore_mem>> -> memref<1x!tpu.dma_semaphore, #tpu.memory_space<semaphore_mem>>
      %dma_start3A_475 = tpu.memref_squeeze %dma_start3A_474 : memref<1x!tpu.dma_semaphore, #tpu.memory_space<semaphore_mem>> -> memref<!tpu.dma_semaphore, #tpu.memory_space<semaphore_mem>>
      %dma_start3A_476 = arith.constant 0 : i32
      %dma_start3A_477 = tpu.memref_slice %arg3[%add3A_462, %mul3A_464, %dma_start3A_476] : memref<64x785x784xf32, #tpu.memory_space<hbm>> -> memref<1x56x784xf32, #tpu.memory_space<hbm>>
      %dma_start3A_478 = tpu.memref_squeeze %dma_start3A_477 : memref<1x56x784xf32, #tpu.memory_space<hbm>> -> memref<56x784xf32, #tpu.memory_space<hbm>>
      %dma_start3A_479 = arith.constant 0 : i32
      %dma_start3A_480 = arith.constant 0 : i32
      %dma_start3A_481 = tpu.memref_slice %arg4[%dma_start3A_465, %dma_start3A_479, %dma_start3A_480] : memref<2x56x784xf32, #tpu.memory_space<vmem>> -> memref<1x56x784xf32, #tpu.memory_space<vmem>>
      %dma_start3A_482 = tpu.memref_squeeze %dma_start3A_481 : memref<1x56x784xf32, #tpu.memory_space<vmem>> -> memref<56x784xf32, #tpu.memory_space<vmem>>
      tpu.enqueue_dma source(%dma_start3A_482 : memref<56x784xf32, #tpu.memory_space<vmem>>) target(%dma_start3A_478 : memref<56x784xf32, #tpu.memory_space<hbm>>) target_semaphore(%dma_start3A_475 : memref<!tpu.dma_semaphore, #tpu.memory_space<semaphore_mem>>)
      %mul3A_483 = arith.constant 2 : i32
      %mul3A_484 = arith.muli %add3A, %mul3A_483 : i32
      %add3A_485 = arith.constant 1 : i32
      %add3A_486 = arith.addi %mul3A_484, %add3A_485 : i32
      %mul3A_487 = arith.constant 56 : i32
      %mul3A_488 = arith.muli %add3A_446, %mul3A_487 : i32
      %dma_start3A_489 = arith.constant 1 : i32
      %dma_start3A_490 = arith.constant 1 : i32
      %dma_start3A_491 = arith.constant 0 : i32
      %dma_start3A_492 = arith.constant 0 : i32
      %dma_start3A_493 = tpu.memref_slice %arg4[%dma_start3A_489, %dma_start3A_491, %dma_start3A_492] : memref<2x56x784xf32, #tpu.memory_space<vmem>> -> memref<1x56x784xf32, #tpu.memory_space<vmem>>
      %dma_start3A_494 = tpu.memref_squeeze %dma_start3A_493 : memref<1x56x784xf32, #tpu.memory_space<vmem>> -> memref<56x784xf32, #tpu.memory_space<vmem>>
      %dma_start3A_495 = arith.constant 0 : i32
      %dma_start3A_496 = tpu.memref_slice %arg3[%add3A_486, %mul3A_488, %dma_start3A_495] : memref<64x785x784xf32, #tpu.memory_space<hbm>> -> memref<1x56x784xf32, #tpu.memory_space<hbm>>
      %dma_start3A_497 = tpu.memref_squeeze %dma_start3A_496 : memref<1x56x784xf32, #tpu.memory_space<hbm>> -> memref<56x784xf32, #tpu.memory_space<hbm>>
      %dma_start3A_498 = tpu.memref_slice %arg7[%dma_start3A_490] : memref<2x!tpu.dma_semaphore, #tpu.memory_space<semaphore_mem>> -> memref<1x!tpu.dma_semaphore, #tpu.memory_space<semaphore_mem>>
      %dma_start3A_499 = tpu.memref_squeeze %dma_start3A_498 : memref<1x!tpu.dma_semaphore, #tpu.memory_space<semaphore_mem>> -> memref<!tpu.dma_semaphore, #tpu.memory_space<semaphore_mem>>
      %dma_start3A_500 = arith.constant 0 : i32
      %dma_start3A_501 = tpu.memref_slice %arg3[%add3A_486, %mul3A_488, %dma_start3A_500] : memref<64x785x784xf32, #tpu.memory_space<hbm>> -> memref<1x56x784xf32, #tpu.memory_space<hbm>>
      %dma_start3A_502 = tpu.memref_squeeze %dma_start3A_501 : memref<1x56x784xf32, #tpu.memory_space<hbm>> -> memref<56x784xf32, #tpu.memory_space<hbm>>
      %dma_start3A_503 = arith.constant 0 : i32
      %dma_start3A_504 = arith.constant 0 : i32
      %dma_start3A_505 = tpu.memref_slice %arg4[%dma_start3A_489, %dma_start3A_503, %dma_start3A_504] : memref<2x56x784xf32, #tpu.memory_space<vmem>> -> memref<1x56x784xf32, #tpu.memory_space<vmem>>
      %dma_start3A_506 = tpu.memref_squeeze %dma_start3A_505 : memref<1x56x784xf32, #tpu.memory_space<vmem>> -> memref<56x784xf32, #tpu.memory_space<vmem>>
      tpu.enqueue_dma source(%dma_start3A_506 : memref<56x784xf32, #tpu.memory_space<vmem>>) target(%dma_start3A_502 : memref<56x784xf32, #tpu.memory_space<hbm>>) target_semaphore(%dma_start3A_499 : memref<!tpu.dma_semaphore, #tpu.memory_space<semaphore_mem>>)
      %scan3A_507 = arith.constant 0 : i32
      scf.yield %scan3A_507 : i32
    }
    %scan3A_190 = arith.constant 6 : i32
    %gt3A = arith.constant 13 : i32
    %gt3A_191 = arith.constant 2 : i32
    %gt3A_192 = arith.cmpi sgt, %gt3A, %gt3A_191 : i32
    %convert_element_type3A = arith.extui %gt3A_192 : i1 to i32
    %cond3A = arith.constant 13 : i32
    %cond3A_193 = arith.constant 0 : i32
    %cond3A_194 = arith.cmpi ne, %convert_element_type3A, %cond3A_193 : i32
    scf.if %cond3A_194 {
      %sub3A_373 = arith.constant 2 : i32
      %sub3A_374 = arith.subi %cond3A, %sub3A_373 : i32
      %mul3A_375 = arith.constant 2 : i32
      %mul3A_376 = arith.muli %add3A, %mul3A_375 : i32
      %add3A_377 = arith.constant 0 : i32
      %add3A_378 = arith.addi %mul3A_376, %add3A_377 : i32
      %mul3A_379 = arith.constant 56 : i32
      %mul3A_380 = arith.muli %sub3A_374, %mul3A_379 : i32
      %dma_wait3A_381 = arith.constant 0 : i32
      %dma_wait3A_382 = arith.constant 0 : i32
      %dma_wait3A_383 = arith.constant 0 : i32
      %dma_wait3A_384 = arith.constant 0 : i32
      %dma_wait3A_385 = tpu.memref_slice %arg4[%dma_wait3A_381, %dma_wait3A_383, %dma_wait3A_384] : memref<2x56x784xf32, #tpu.memory_space<vmem>> -> memref<1x56x784xf32, #tpu.memory_space<vmem>>
      %dma_wait3A_386 = tpu.memref_squeeze %dma_wait3A_385 : memref<1x56x784xf32, #tpu.memory_space<vmem>> -> memref<56x784xf32, #tpu.memory_space<vmem>>
      %dma_wait3A_387 = arith.constant 0 : i32
      %dma_wait3A_388 = tpu.memref_slice %arg3[%add3A_378, %mul3A_380, %dma_wait3A_387] : memref<64x785x784xf32, #tpu.memory_space<hbm>> -> memref<1x56x784xf32, #tpu.memory_space<hbm>>
      %dma_wait3A_389 = tpu.memref_squeeze %dma_wait3A_388 : memref<1x56x784xf32, #tpu.memory_space<hbm>> -> memref<56x784xf32, #tpu.memory_space<hbm>>
      %dma_wait3A_390 = tpu.memref_slice %arg7[%dma_wait3A_382] : memref<2x!tpu.dma_semaphore, #tpu.memory_space<semaphore_mem>> -> memref<1x!tpu.dma_semaphore, #tpu.memory_space<semaphore_mem>>
      %dma_wait3A_391 = tpu.memref_squeeze %dma_wait3A_390 : memref<1x!tpu.dma_semaphore, #tpu.memory_space<semaphore_mem>> -> memref<!tpu.dma_semaphore, #tpu.memory_space<semaphore_mem>>
      %dma_wait3A_392 = arith.constant 0 : i32
      %dma_wait3A_393 = tpu.memref_slice %arg3[%add3A_378, %mul3A_380, %dma_wait3A_392] : memref<64x785x784xf32, #tpu.memory_space<hbm>> -> memref<1x56x784xf32, #tpu.memory_space<hbm>>
      %dma_wait3A_394 = tpu.memref_squeeze %dma_wait3A_393 : memref<1x56x784xf32, #tpu.memory_space<hbm>> -> memref<56x784xf32, #tpu.memory_space<hbm>>
      %dma_wait3A_395 = arith.constant 0 : i32
      %dma_wait3A_396 = arith.constant 0 : i32
      %dma_wait3A_397 = tpu.memref_slice %arg4[%dma_wait3A_381, %dma_wait3A_395, %dma_wait3A_396] : memref<2x56x784xf32, #tpu.memory_space<vmem>> -> memref<1x56x784xf32, #tpu.memory_space<vmem>>
      %dma_wait3A_398 = tpu.memref_squeeze %dma_wait3A_397 : memref<1x56x784xf32, #tpu.memory_space<vmem>> -> memref<56x784xf32, #tpu.memory_space<vmem>>
      tpu.wait_dma2 semaphore(%dma_wait3A_391 : memref<!tpu.dma_semaphore, #tpu.memory_space<semaphore_mem>>) src(%dma_wait3A_398 : memref<56x784xf32, #tpu.memory_space<vmem>>) dst(%dma_wait3A_394 : memref<56x784xf32, #tpu.memory_space<hbm>>)
      %mul3A_399 = arith.constant 2 : i32
      %mul3A_400 = arith.muli %add3A, %mul3A_399 : i32
      %add3A_401 = arith.constant 1 : i32
      %add3A_402 = arith.addi %mul3A_400, %add3A_401 : i32
      %mul3A_403 = arith.constant 56 : i32
      %mul3A_404 = arith.muli %sub3A_374, %mul3A_403 : i32
      %dma_wait3A_405 = arith.constant 0 : i32
      %dma_wait3A_406 = arith.constant 0 : i32
      %dma_wait3A_407 = arith.constant 0 : i32
      %dma_wait3A_408 = arith.constant 0 : i32
      %dma_wait3A_409 = tpu.memref_slice %arg4[%dma_wait3A_405, %dma_wait3A_407, %dma_wait3A_408] : memref<2x56x784xf32, #tpu.memory_space<vmem>> -> memref<1x56x784xf32, #tpu.memory_space<vmem>>
      %dma_wait3A_410 = tpu.memref_squeeze %dma_wait3A_409 : memref<1x56x784xf32, #tpu.memory_space<vmem>> -> memref<56x784xf32, #tpu.memory_space<vmem>>
      %dma_wait3A_411 = arith.constant 0 : i32
      %dma_wait3A_412 = tpu.memref_slice %arg3[%add3A_402, %mul3A_404, %dma_wait3A_411] : memref<64x785x784xf32, #tpu.memory_space<hbm>> -> memref<1x56x784xf32, #tpu.memory_space<hbm>>
      %dma_wait3A_413 = tpu.memref_squeeze %dma_wait3A_412 : memref<1x56x784xf32, #tpu.memory_space<hbm>> -> memref<56x784xf32, #tpu.memory_space<hbm>>
      %dma_wait3A_414 = tpu.memref_slice %arg7[%dma_wait3A_406] : memref<2x!tpu.dma_semaphore, #tpu.memory_space<semaphore_mem>> -> memref<1x!tpu.dma_semaphore, #tpu.memory_space<semaphore_mem>>
      %dma_wait3A_415 = tpu.memref_squeeze %dma_wait3A_414 : memref<1x!tpu.dma_semaphore, #tpu.memory_space<semaphore_mem>> -> memref<!tpu.dma_semaphore, #tpu.memory_space<semaphore_mem>>
      %dma_wait3A_416 = arith.constant 0 : i32
      %dma_wait3A_417 = tpu.memref_slice %arg3[%add3A_402, %mul3A_404, %dma_wait3A_416] : memref<64x785x784xf32, #tpu.memory_space<hbm>> -> memref<1x56x784xf32, #tpu.memory_space<hbm>>
      %dma_wait3A_418 = tpu.memref_squeeze %dma_wait3A_417 : memref<1x56x784xf32, #tpu.memory_space<hbm>> -> memref<56x784xf32, #tpu.memory_space<hbm>>
      %dma_wait3A_419 = arith.constant 0 : i32
      %dma_wait3A_420 = arith.constant 0 : i32
      %dma_wait3A_421 = tpu.memref_slice %arg4[%dma_wait3A_405, %dma_wait3A_419, %dma_wait3A_420] : memref<2x56x784xf32, #tpu.memory_space<vmem>> -> memref<1x56x784xf32, #tpu.memory_space<vmem>>
      %dma_wait3A_422 = tpu.memref_squeeze %dma_wait3A_421 : memref<1x56x784xf32, #tpu.memory_space<vmem>> -> memref<56x784xf32, #tpu.memory_space<vmem>>
      tpu.wait_dma2 semaphore(%dma_wait3A_415 : memref<!tpu.dma_semaphore, #tpu.memory_space<semaphore_mem>>) src(%dma_wait3A_422 : memref<56x784xf32, #tpu.memory_space<vmem>>) dst(%dma_wait3A_418 : memref<56x784xf32, #tpu.memory_space<hbm>>)
    } else {
    }
    %scan3A_195 = arith.constant 13 : i32
    %scan3A_196 = arith.constant 0 : i32
    %scan3A_197 = arith.constant 0 : i32
    %scan3A_198 = arith.constant 56 : i32
    %scan3A_199 = arith.addi %scan3A_197, %scan3A_198 : i32
    %scan3A_200 = arith.constant 1 : i32
    %scan3A_201 = scf.for %scan3A_373 = %scan3A_197 to %scan3A_199 step %scan3A_200 iter_args(%scan3A_374 = %scan3A_196) -> (i32)  : i32 {
      %mul3A_375 = arith.constant 56 : i32
      %mul3A_376 = arith.muli %scan3A_195, %mul3A_375 : i32
      %add3A_377 = arith.addi %mul3A_376, %scan3A_373 : i32
      %sub3A_378 = arith.constant 1 : i32
      %sub3A_379 = arith.subi %add3A_377, %sub3A_378 : i32
      %sub3A_380 = arith.constant 112 : i32
      %sub3A_381 = arith.subi %sub3A_379, %sub3A_380 : i32
      %ge3A = arith.constant 0 : i32
      %ge3A_382 = arith.cmpi sge, %sub3A_381, %ge3A : i32
      %convert_element_type3A_383 = arith.extui %ge3A_382 : i1 to i32
      %cond3A_384 = arith.constant 0 : i32
      %cond3A_385 = arith.cmpi ne, %convert_element_type3A_383, %cond3A_384 : i32
      scf.if %cond3A_385 {
        %jit3A_442 = arith.constant 16 : i32
        %div3A_443 = arith.divsi %sub3A_381, %jit3A_442 : i32
        %sign3A_444 = arith.constant 0 : i32
        %sign3A_445 = arith.cmpi sgt, %sub3A_381, %sign3A_444 : i32
        %sign3A_446 = arith.extui %sign3A_445 : i1 to i32
        %sign3A_447 = arith.constant 0 : i32
        %sign3A_448 = arith.cmpi slt, %sub3A_381, %sign3A_447 : i32
        %sign3A_449 = arith.extui %sign3A_448 : i1 to i32
        %sign3A_450 = arith.subi %sign3A_446, %sign3A_449 : i32
        %sign3A_451 = arith.constant 0 : i32
        %sign3A_452 = arith.cmpi sgt, %jit3A_442, %sign3A_451 : i32
        %sign3A_453 = arith.extui %sign3A_452 : i1 to i32
        %sign3A_454 = arith.constant 0 : i32
        %sign3A_455 = arith.cmpi slt, %jit3A_442, %sign3A_454 : i32
        %sign3A_456 = arith.extui %sign3A_455 : i1 to i32
        %sign3A_457 = arith.subi %sign3A_453, %sign3A_456 : i32
        %ne3A_458 = arith.cmpi ne, %sign3A_450, %sign3A_457 : i32
        %rem3A_459 = arith.remsi %sub3A_381, %jit3A_442 : i32
        %ne3A_460 = arith.constant 0 : i32
        %ne3A_461 = arith.cmpi ne, %rem3A_459, %ne3A_460 : i32
        %and3A_462 = arith.andi %ne3A_458, %ne3A_461 : i1
        %sub3A_463 = arith.constant 1 : i32
        %sub3A_464 = arith.subi %div3A_443, %sub3A_463 : i32
        %select_n3A_465 = arith.select %and3A_462, %sub3A_464, %div3A_443 : i32
        %mul3A_466 = arith.constant 16 : i32
        %mul3A_467 = arith.muli %select_n3A_465, %mul3A_466 : i32
        %swap3A_468 = arith.constant 0 : i32
        %swap3A_469 = arith.index_cast %swap3A_468 : i32 to index
        %swap3A_470 = arith.index_cast %scan3A_373 : i32 to index
        %swap3A_471 = arith.index_cast %mul3A_467 : i32 to index
        %swap3A_472 = tpu.vector_load %arg4[%swap3A_469, %swap3A_470, %swap3A_471] {strides = array<i32>} : memref<2x56x784xf32, #tpu.memory_space<vmem>>, vector<1x1x16xf32>,
        %swap3A_473 = vector.shape_cast %swap3A_472 : vector<1x1x16xf32> to vector<16xf32>
        %swap3A_474 = vector.shape_cast %broadcast_in_dim3A_1 : vector<16xf32> to vector<1x1x16xf32>
        tpu.vector_store %arg4[%swap3A_469, %swap3A_470, %swap3A_471], %swap3A_474 {strides = array<i32>} : memref<2x56x784xf32, #tpu.memory_space<vmem>>, vector<1x1x16xf32>,
      } else {
      }
      %jit3A_386 = arith.constant 16 : i32
      %eq3A_387 = arith.constant 0 : i32
      %eq3A_388 = arith.cmpi eq, %jit3A_386, %eq3A_387 : i32
      %jit3A_389 = arith.constant 1 : i32
      %select_n3A_390 = arith.select %eq3A_388, %jit3A_389, %jit3A_386 : i32
      %rem3A_391 = arith.remsi %sub3A_379, %select_n3A_390 : i32
      %ne3A_392 = arith.constant 0 : i32
      %ne3A_393 = arith.cmpi ne, %rem3A_391, %ne3A_392 : i32
      %lt3A = arith.constant 0 : i32
      %lt3A_394 = arith.cmpi slt, %rem3A_391, %lt3A : i32
      %lt3A_395 = arith.constant 0 : i32
      %lt3A_396 = arith.cmpi slt, %select_n3A_390, %lt3A_395 : i32
      %ne3A_397 = arith.xori %lt3A_394, %lt3A_396 : i1
      %and3A_398 = arith.andi %ne3A_397, %ne3A_393 : i1
      %add3A_399 = arith.addi %rem3A_391, %select_n3A_390 : i32
      %select_n3A_400 = arith.select %and3A_398, %add3A_399, %rem3A_391 : i32
      %eq3A_401 = vector.broadcast %select_n3A_400 : i32 to vector<16xi32>
      %eq3A_402 = arith.cmpi eq, %iota3A, %eq3A_401 : vector<16xi32>
      %jit3A_403 = arith.constant 1.000000e-01 : f32
      %jit3A_404 = arith.constant 0.000000e+00 : f32
      %broadcast_in_dim3A_405 = vector.broadcast %jit3A_403 : f32 to vector<16xf32>
      %broadcast_in_dim3A_406 = vector.broadcast %jit3A_404 : f32 to vector<16xf32>
      %select_n3A_407 = arith.select %eq3A_402, %broadcast_in_dim3A_405, %broadcast_in_dim3A_406 : vector<16xi1>, vector<16xf32>
      %jit3A_408 = arith.constant 16 : i32
      %div3A_409 = arith.divsi %sub3A_379, %jit3A_408 : i32
      %sign3A_410 = arith.constant 0 : i32
      %sign3A_411 = arith.cmpi sgt, %sub3A_379, %sign3A_410 : i32
      %sign3A_412 = arith.extui %sign3A_411 : i1 to i32
      %sign3A_413 = arith.constant 0 : i32
      %sign3A_414 = arith.cmpi slt, %sub3A_379, %sign3A_413 : i32
      %sign3A_415 = arith.extui %sign3A_414 : i1 to i32
      %sign3A_416 = arith.subi %sign3A_412, %sign3A_415 : i32
      %sign3A_417 = arith.constant 0 : i32
      %sign3A_418 = arith.cmpi sgt, %jit3A_408, %sign3A_417 : i32
      %sign3A_419 = arith.extui %sign3A_418 : i1 to i32
      %sign3A_420 = arith.constant 0 : i32
      %sign3A_421 = arith.cmpi slt, %jit3A_408, %sign3A_420 : i32
      %sign3A_422 = arith.extui %sign3A_421 : i1 to i32
      %sign3A_423 = arith.subi %sign3A_419, %sign3A_422 : i32
      %ne3A_424 = arith.cmpi ne, %sign3A_416, %sign3A_423 : i32
      %rem3A_425 = arith.remsi %sub3A_379, %jit3A_408 : i32
      %ne3A_426 = arith.constant 0 : i32
      %ne3A_427 = arith.cmpi ne, %rem3A_425, %ne3A_426 : i32
      %and3A_428 = arith.andi %ne3A_424, %ne3A_427 : i1
      %sub3A_429 = arith.constant 1 : i32
      %sub3A_430 = arith.subi %div3A_409, %sub3A_429 : i32
      %select_n3A_431 = arith.select %and3A_428, %sub3A_430, %div3A_409 : i32
      %mul3A_432 = arith.constant 16 : i32
      %mul3A_433 = arith.muli %select_n3A_431, %mul3A_432 : i32
      %swap3A_434 = arith.constant 0 : i32
      %swap3A_435 = arith.index_cast %swap3A_434 : i32 to index
      %swap3A_436 = arith.index_cast %scan3A_373 : i32 to index
      %swap3A_437 = arith.index_cast %mul3A_433 : i32 to index
      %swap3A_438 = tpu.vector_load %arg4[%swap3A_435, %swap3A_436, %swap3A_437] {strides = array<i32>} : memref<2x56x784xf32, #tpu.memory_space<vmem>>, vector<1x1x16xf32>,
      %swap3A_439 = vector.shape_cast %swap3A_438 : vector<1x1x16xf32> to vector<16xf32>
      %swap3A_440 = vector.shape_cast %select_n3A_407 : vector<16xf32> to vector<1x1x16xf32>
      tpu.vector_store %arg4[%swap3A_435, %swap3A_436, %swap3A_437], %swap3A_440 {strides = array<i32>} : memref<2x56x784xf32, #tpu.memory_space<vmem>>, vector<1x1x16xf32>,
      %scan3A_441 = arith.constant 0 : i32
      scf.yield %scan3A_441 : i32
    }
    %scan3A_202 = arith.constant 56 : i32
    %mul3A_203 = arith.constant 2 : i32
    %mul3A_204 = arith.muli %add3A, %mul3A_203 : i32
    %add3A_205 = arith.constant 0 : i32
    %add3A_206 = arith.addi %mul3A_204, %add3A_205 : i32
    %mul3A_207 = arith.constant 13 : i32
    %mul3A_208 = arith.constant 56 : i32
    %mul3A_209 = arith.muli %mul3A_207, %mul3A_208 : i32
    %dma_start3A_210 = arith.constant 0 : i32
    %dma_start3A_211 = arith.constant 0 : i32
    %dma_start3A_212 = arith.constant 0 : i32
    %dma_start3A_213 = arith.constant 0 : i32
    %dma_start3A_214 = tpu.memref_slice %arg4[%dma_start3A_210, %dma_start3A_212, %dma_start3A_213] : memref<2x56x784xf32, #tpu.memory_space<vmem>> -> memref<1x56x784xf32, #tpu.memory_space<vmem>>
    %dma_start3A_215 = tpu.memref_squeeze %dma_start3A_214 : memref<1x56x784xf32, #tpu.memory_space<vmem>> -> memref<56x784xf32, #tpu.memory_space<vmem>>
    %dma_start3A_216 = arith.constant 0 : i32
    %dma_start3A_217 = tpu.memref_slice %arg3[%add3A_206, %mul3A_209, %dma_start3A_216] : memref<64x785x784xf32, #tpu.memory_space<hbm>> -> memref<1x56x784xf32, #tpu.memory_space<hbm>>
    %dma_start3A_218 = tpu.memref_squeeze %dma_start3A_217 : memref<1x56x784xf32, #tpu.memory_space<hbm>> -> memref<56x784xf32, #tpu.memory_space<hbm>>
    %dma_start3A_219 = tpu.memref_slice %arg7[%dma_start3A_211] : memref<2x!tpu.dma_semaphore, #tpu.memory_space<semaphore_mem>> -> memref<1x!tpu.dma_semaphore, #tpu.memory_space<semaphore_mem>>
    %dma_start3A_220 = tpu.memref_squeeze %dma_start3A_219 : memref<1x!tpu.dma_semaphore, #tpu.memory_space<semaphore_mem>> -> memref<!tpu.dma_semaphore, #tpu.memory_space<semaphore_mem>>
    %dma_start3A_221 = arith.constant 0 : i32
    %dma_start3A_222 = tpu.memref_slice %arg3[%add3A_206, %mul3A_209, %dma_start3A_221] : memref<64x785x784xf32, #tpu.memory_space<hbm>> -> memref<1x56x784xf32, #tpu.memory_space<hbm>>
    %dma_start3A_223 = tpu.memref_squeeze %dma_start3A_222 : memref<1x56x784xf32, #tpu.memory_space<hbm>> -> memref<56x784xf32, #tpu.memory_space<hbm>>
    %dma_start3A_224 = arith.constant 0 : i32
    %dma_start3A_225 = arith.constant 0 : i32
    %dma_start3A_226 = tpu.memref_slice %arg4[%dma_start3A_210, %dma_start3A_224, %dma_start3A_225] : memref<2x56x784xf32, #tpu.memory_space<vmem>> -> memref<1x56x784xf32, #tpu.memory_space<vmem>>
    %dma_start3A_227 = tpu.memref_squeeze %dma_start3A_226 : memref<1x56x784xf32, #tpu.memory_space<vmem>> -> memref<56x784xf32, #tpu.memory_space<vmem>>
    tpu.enqueue_dma source(%dma_start3A_227 : memref<56x784xf32, #tpu.memory_space<vmem>>) target(%dma_start3A_223 : memref<56x784xf32, #tpu.memory_space<hbm>>) target_semaphore(%dma_start3A_220 : memref<!tpu.dma_semaphore, #tpu.memory_space<semaphore_mem>>)
    %mul3A_228 = arith.constant 2 : i32
    %mul3A_229 = arith.muli %add3A, %mul3A_228 : i32
    %add3A_230 = arith.constant 1 : i32
    %add3A_231 = arith.addi %mul3A_229, %add3A_230 : i32
    %mul3A_232 = arith.constant 13 : i32
    %mul3A_233 = arith.constant 56 : i32
    %mul3A_234 = arith.muli %mul3A_232, %mul3A_233 : i32
    %dma_start3A_235 = arith.constant 0 : i32
    %dma_start3A_236 = arith.constant 0 : i32
    %dma_start3A_237 = arith.constant 0 : i32
    %dma_start3A_238 = arith.constant 0 : i32
    %dma_start3A_239 = tpu.memref_slice %arg4[%dma_start3A_235, %dma_start3A_237, %dma_start3A_238] : memref<2x56x784xf32, #tpu.memory_space<vmem>> -> memref<1x56x784xf32, #tpu.memory_space<vmem>>
    %dma_start3A_240 = tpu.memref_squeeze %dma_start3A_239 : memref<1x56x784xf32, #tpu.memory_space<vmem>> -> memref<56x784xf32, #tpu.memory_space<vmem>>
    %dma_start3A_241 = arith.constant 0 : i32
    %dma_start3A_242 = tpu.memref_slice %arg3[%add3A_231, %mul3A_234, %dma_start3A_241] : memref<64x785x784xf32, #tpu.memory_space<hbm>> -> memref<1x56x784xf32, #tpu.memory_space<hbm>>
    %dma_start3A_243 = tpu.memref_squeeze %dma_start3A_242 : memref<1x56x784xf32, #tpu.memory_space<hbm>> -> memref<56x784xf32, #tpu.memory_space<hbm>>
    %dma_start3A_244 = tpu.memref_slice %arg7[%dma_start3A_236] : memref<2x!tpu.dma_semaphore, #tpu.memory_space<semaphore_mem>> -> memref<1x!tpu.dma_semaphore, #tpu.memory_space<semaphore_mem>>
    %dma_start3A_245 = tpu.memref_squeeze %dma_start3A_244 : memref<1x!tpu.dma_semaphore, #tpu.memory_space<semaphore_mem>> -> memref<!tpu.dma_semaphore, #tpu.memory_space<semaphore_mem>>
    %dma_start3A_246 = arith.constant 0 : i32
    %dma_start3A_247 = tpu.memref_slice %arg3[%add3A_231, %mul3A_234, %dma_start3A_246] : memref<64x785x784xf32, #tpu.memory_space<hbm>> -> memref<1x56x784xf32, #tpu.memory_space<hbm>>
    %dma_start3A_248 = tpu.memref_squeeze %dma_start3A_247 : memref<1x56x784xf32, #tpu.memory_space<hbm>> -> memref<56x784xf32, #tpu.memory_space<hbm>>
    %dma_start3A_249 = arith.constant 0 : i32
    %dma_start3A_250 = arith.constant 0 : i32
    %dma_start3A_251 = tpu.memref_slice %arg4[%dma_start3A_235, %dma_start3A_249, %dma_start3A_250] : memref<2x56x784xf32, #tpu.memory_space<vmem>> -> memref<1x56x784xf32, #tpu.memory_space<vmem>>
    %dma_start3A_252 = tpu.memref_squeeze %dma_start3A_251 : memref<1x56x784xf32, #tpu.memory_space<vmem>> -> memref<56x784xf32, #tpu.memory_space<vmem>>
    tpu.enqueue_dma source(%dma_start3A_252 : memref<56x784xf32, #tpu.memory_space<vmem>>) target(%dma_start3A_248 : memref<56x784xf32, #tpu.memory_space<hbm>>) target_semaphore(%dma_start3A_245 : memref<!tpu.dma_semaphore, #tpu.memory_space<semaphore_mem>>)
    %mul3A_253 = arith.constant 2 : i32
    %mul3A_254 = arith.muli %add3A, %mul3A_253 : i32
    %add3A_255 = arith.constant 0 : i32
    %add3A_256 = arith.addi %mul3A_254, %add3A_255 : i32
    %dma_wait3A_257 = arith.constant 1 : i32
    %dma_wait3A_258 = arith.constant 1 : i32
    %dma_wait3A_259 = arith.constant 0 : i32
    %dma_wait3A_260 = arith.constant 0 : i32
    %dma_wait3A_261 = tpu.memref_slice %arg4[%dma_wait3A_257, %dma_wait3A_259, %dma_wait3A_260] : memref<2x56x784xf32, #tpu.memory_space<vmem>> -> memref<1x56x784xf32, #tpu.memory_space<vmem>>
    %dma_wait3A_262 = tpu.memref_squeeze %dma_wait3A_261 : memref<1x56x784xf32, #tpu.memory_space<vmem>> -> memref<56x784xf32, #tpu.memory_space<vmem>>
    %dma_wait3A_263 = arith.constant 672 : i32
    %dma_wait3A_264 = arith.constant 0 : i32
    %dma_wait3A_265 = tpu.memref_slice %arg3[%add3A_256, %dma_wait3A_263, %dma_wait3A_264] : memref<64x785x784xf32, #tpu.memory_space<hbm>> -> memref<1x56x784xf32, #tpu.memory_space<hbm>>
    %dma_wait3A_266 = tpu.memref_squeeze %dma_wait3A_265 : memref<1x56x784xf32, #tpu.memory_space<hbm>> -> memref<56x784xf32, #tpu.memory_space<hbm>>
    %dma_wait3A_267 = tpu.memref_slice %arg7[%dma_wait3A_258] : memref<2x!tpu.dma_semaphore, #tpu.memory_space<semaphore_mem>> -> memref<1x!tpu.dma_semaphore, #tpu.memory_space<semaphore_mem>>
    %dma_wait3A_268 = tpu.memref_squeeze %dma_wait3A_267 : memref<1x!tpu.dma_semaphore, #tpu.memory_space<semaphore_mem>> -> memref<!tpu.dma_semaphore, #tpu.memory_space<semaphore_mem>>
    %dma_wait3A_269 = arith.constant 672 : i32
    %dma_wait3A_270 = arith.constant 0 : i32
    %dma_wait3A_271 = tpu.memref_slice %arg3[%add3A_256, %dma_wait3A_269, %dma_wait3A_270] : memref<64x785x784xf32, #tpu.memory_space<hbm>> -> memref<1x56x784xf32, #tpu.memory_space<hbm>>
    %dma_wait3A_272 = tpu.memref_squeeze %dma_wait3A_271 : memref<1x56x784xf32, #tpu.memory_space<hbm>> -> memref<56x784xf32, #tpu.memory_space<hbm>>
    %dma_wait3A_273 = arith.constant 0 : i32
    %dma_wait3A_274 = arith.constant 0 : i32
    %dma_wait3A_275 = tpu.memref_slice %arg4[%dma_wait3A_257, %dma_wait3A_273, %dma_wait3A_274] : memref<2x56x784xf32, #tpu.memory_space<vmem>> -> memref<1x56x784xf32, #tpu.memory_space<vmem>>
    %dma_wait3A_276 = tpu.memref_squeeze %dma_wait3A_275 : memref<1x56x784xf32, #tpu.memory_space<vmem>> -> memref<56x784xf32, #tpu.memory_space<vmem>>
    tpu.wait_dma2 semaphore(%dma_wait3A_268 : memref<!tpu.dma_semaphore, #tpu.memory_space<semaphore_mem>>) src(%dma_wait3A_276 : memref<56x784xf32, #tpu.memory_space<vmem>>) dst(%dma_wait3A_272 : memref<56x784xf32, #tpu.memory_space<hbm>>)
    %mul3A_277 = arith.constant 2 : i32
    %mul3A_278 = arith.muli %add3A, %mul3A_277 : i32
    %add3A_279 = arith.constant 1 : i32
    %add3A_280 = arith.addi %mul3A_278, %add3A_279 : i32
    %dma_wait3A_281 = arith.constant 1 : i32
    %dma_wait3A_282 = arith.constant 1 : i32
    %dma_wait3A_283 = arith.constant 0 : i32
    %dma_wait3A_284 = arith.constant 0 : i32
    %dma_wait3A_285 = tpu.memref_slice %arg4[%dma_wait3A_281, %dma_wait3A_283, %dma_wait3A_284] : memref<2x56x784xf32, #tpu.memory_space<vmem>> -> memref<1x56x784xf32, #tpu.memory_space<vmem>>
    %dma_wait3A_286 = tpu.memref_squeeze %dma_wait3A_285 : memref<1x56x784xf32, #tpu.memory_space<vmem>> -> memref<56x784xf32, #tpu.memory_space<vmem>>
    %dma_wait3A_287 = arith.constant 672 : i32
    %dma_wait3A_288 = arith.constant 0 : i32
    %dma_wait3A_289 = tpu.memref_slice %arg3[%add3A_280, %dma_wait3A_287, %dma_wait3A_288] : memref<64x785x784xf32, #tpu.memory_space<hbm>> -> memref<1x56x784xf32, #tpu.memory_space<hbm>>
    %dma_wait3A_290 = tpu.memref_squeeze %dma_wait3A_289 : memref<1x56x784xf32, #tpu.memory_space<hbm>> -> memref<56x784xf32, #tpu.memory_space<hbm>>
    %dma_wait3A_291 = tpu.memref_slice %arg7[%dma_wait3A_282] : memref<2x!tpu.dma_semaphore, #tpu.memory_space<semaphore_mem>> -> memref<1x!tpu.dma_semaphore, #tpu.memory_space<semaphore_mem>>
    %dma_wait3A_292 = tpu.memref_squeeze %dma_wait3A_291 : memref<1x!tpu.dma_semaphore, #tpu.memory_space<semaphore_mem>> -> memref<!tpu.dma_semaphore, #tpu.memory_space<semaphore_mem>>
    %dma_wait3A_293 = arith.constant 672 : i32
    %dma_wait3A_294 = arith.constant 0 : i32
    %dma_wait3A_295 = tpu.memref_slice %arg3[%add3A_280, %dma_wait3A_293, %dma_wait3A_294] : memref<64x785x784xf32, #tpu.memory_space<hbm>> -> memref<1x56x784xf32, #tpu.memory_space<hbm>>
    %dma_wait3A_296 = tpu.memref_squeeze %dma_wait3A_295 : memref<1x56x784xf32, #tpu.memory_space<hbm>> -> memref<56x784xf32, #tpu.memory_space<hbm>>
    %dma_wait3A_297 = arith.constant 0 : i32
    %dma_wait3A_298 = arith.constant 0 : i32
    %dma_wait3A_299 = tpu.memref_slice %arg4[%dma_wait3A_281, %dma_wait3A_297, %dma_wait3A_298] : memref<2x56x784xf32, #tpu.memory_space<vmem>> -> memref<1x56x784xf32, #tpu.memory_space<vmem>>
    %dma_wait3A_300 = tpu.memref_squeeze %dma_wait3A_299 : memref<1x56x784xf32, #tpu.memory_space<vmem>> -> memref<56x784xf32, #tpu.memory_space<vmem>>
    tpu.wait_dma2 semaphore(%dma_wait3A_292 : memref<!tpu.dma_semaphore, #tpu.memory_space<semaphore_mem>>) src(%dma_wait3A_300 : memref<56x784xf32, #tpu.memory_space<vmem>>) dst(%dma_wait3A_296 : memref<56x784xf32, #tpu.memory_space<hbm>>)
    %mul3A_301 = arith.constant 2 : i32
    %mul3A_302 = arith.muli %add3A, %mul3A_301 : i32
    %add3A_303 = arith.constant 0 : i32
    %add3A_304 = arith.addi %mul3A_302, %add3A_303 : i32
    %dma_wait3A_305 = arith.constant 0 : i32
    %dma_wait3A_306 = arith.constant 0 : i32
    %dma_wait3A_307 = arith.constant 0 : i32
    %dma_wait3A_308 = arith.constant 0 : i32
    %dma_wait3A_309 = tpu.memref_slice %arg4[%dma_wait3A_305, %dma_wait3A_307, %dma_wait3A_308] : memref<2x56x784xf32, #tpu.memory_space<vmem>> -> memref<1x56x784xf32, #tpu.memory_space<vmem>>
    %dma_wait3A_310 = tpu.memref_squeeze %dma_wait3A_309 : memref<1x56x784xf32, #tpu.memory_space<vmem>> -> memref<56x784xf32, #tpu.memory_space<vmem>>
    %dma_wait3A_311 = arith.constant 728 : i32
    %dma_wait3A_312 = arith.constant 0 : i32
    %dma_wait3A_313 = tpu.memref_slice %arg3[%add3A_304, %dma_wait3A_311, %dma_wait3A_312] : memref<64x785x784xf32, #tpu.memory_space<hbm>> -> memref<1x56x784xf32, #tpu.memory_space<hbm>>
    %dma_wait3A_314 = tpu.memref_squeeze %dma_wait3A_313 : memref<1x56x784xf32, #tpu.memory_space<hbm>> -> memref<56x784xf32, #tpu.memory_space<hbm>>
    %dma_wait3A_315 = tpu.memref_slice %arg7[%dma_wait3A_306] : memref<2x!tpu.dma_semaphore, #tpu.memory_space<semaphore_mem>> -> memref<1x!tpu.dma_semaphore, #tpu.memory_space<semaphore_mem>>
    %dma_wait3A_316 = tpu.memref_squeeze %dma_wait3A_315 : memref<1x!tpu.dma_semaphore, #tpu.memory_space<semaphore_mem>> -> memref<!tpu.dma_semaphore, #tpu.memory_space<semaphore_mem>>
    %dma_wait3A_317 = arith.constant 728 : i32
    %dma_wait3A_318 = arith.constant 0 : i32
    %dma_wait3A_319 = tpu.memref_slice %arg3[%add3A_304, %dma_wait3A_317, %dma_wait3A_318] : memref<64x785x784xf32, #tpu.memory_space<hbm>> -> memref<1x56x784xf32, #tpu.memory_space<hbm>>
    %dma_wait3A_320 = tpu.memref_squeeze %dma_wait3A_319 : memref<1x56x784xf32, #tpu.memory_space<hbm>> -> memref<56x784xf32, #tpu.memory_space<hbm>>
    %dma_wait3A_321 = arith.constant 0 : i32
    %dma_wait3A_322 = arith.constant 0 : i32
    %dma_wait3A_323 = tpu.memref_slice %arg4[%dma_wait3A_305, %dma_wait3A_321, %dma_wait3A_322] : memref<2x56x784xf32, #tpu.memory_space<vmem>> -> memref<1x56x784xf32, #tpu.memory_space<vmem>>
    %dma_wait3A_324 = tpu.memref_squeeze %dma_wait3A_323 : memref<1x56x784xf32, #tpu.memory_space<vmem>> -> memref<56x784xf32, #tpu.memory_space<vmem>>
    tpu.wait_dma2 semaphore(%dma_wait3A_316 : memref<!tpu.dma_semaphore, #tpu.memory_space<semaphore_mem>>) src(%dma_wait3A_324 : memref<56x784xf32, #tpu.memory_space<vmem>>) dst(%dma_wait3A_320 : memref<56x784xf32, #tpu.memory_space<hbm>>)
    %mul3A_325 = arith.constant 2 : i32
    %mul3A_326 = arith.muli %add3A, %mul3A_325 : i32
    %add3A_327 = arith.constant 1 : i32
    %add3A_328 = arith.addi %mul3A_326, %add3A_327 : i32
    %dma_wait3A_329 = arith.constant 0 : i32
    %dma_wait3A_330 = arith.constant 0 : i32
    %dma_wait3A_331 = arith.constant 0 : i32
    %dma_wait3A_332 = arith.constant 0 : i32
    %dma_wait3A_333 = tpu.memref_slice %arg4[%dma_wait3A_329, %dma_wait3A_331, %dma_wait3A_332] : memref<2x56x784xf32, #tpu.memory_space<vmem>> -> memref<1x56x784xf32, #tpu.memory_space<vmem>>
    %dma_wait3A_334 = tpu.memref_squeeze %dma_wait3A_333 : memref<1x56x784xf32, #tpu.memory_space<vmem>> -> memref<56x784xf32, #tpu.memory_space<vmem>>
    %dma_wait3A_335 = arith.constant 728 : i32
    %dma_wait3A_336 = arith.constant 0 : i32
    %dma_wait3A_337 = tpu.memref_slice %arg3[%add3A_328, %dma_wait3A_335, %dma_wait3A_336] : memref<64x785x784xf32, #tpu.memory_space<hbm>> -> memref<1x56x784xf32, #tpu.memory_space<hbm>>
    %dma_wait3A_338 = tpu.memref_squeeze %dma_wait3A_337 : memref<1x56x784xf32, #tpu.memory_space<hbm>> -> memref<56x784xf32, #tpu.memory_space<hbm>>
    %dma_wait3A_339 = tpu.memref_slice %arg7[%dma_wait3A_330] : memref<2x!tpu.dma_semaphore, #tpu.memory_space<semaphore_mem>> -> memref<1x!tpu.dma_semaphore, #tpu.memory_space<semaphore_mem>>
    %dma_wait3A_340 = tpu.memref_squeeze %dma_wait3A_339 : memref<1x!tpu.dma_semaphore, #tpu.memory_space<semaphore_mem>> -> memref<!tpu.dma_semaphore, #tpu.memory_space<semaphore_mem>>
    %dma_wait3A_341 = arith.constant 728 : i32
    %dma_wait3A_342 = arith.constant 0 : i32
    %dma_wait3A_343 = tpu.memref_slice %arg3[%add3A_328, %dma_wait3A_341, %dma_wait3A_342] : memref<64x785x784xf32, #tpu.memory_space<hbm>> -> memref<1x56x784xf32, #tpu.memory_space<hbm>>
    %dma_wait3A_344 = tpu.memref_squeeze %dma_wait3A_343 : memref<1x56x784xf32, #tpu.memory_space<hbm>> -> memref<56x784xf32, #tpu.memory_space<hbm>>
    %dma_wait3A_345 = arith.constant 0 : i32
    %dma_wait3A_346 = arith.constant 0 : i32
    %dma_wait3A_347 = tpu.memref_slice %arg4[%dma_wait3A_329, %dma_wait3A_345, %dma_wait3A_346] : memref<2x56x784xf32, #tpu.memory_space<vmem>> -> memref<1x56x784xf32, #tpu.memory_space<vmem>>
    %dma_wait3A_348 = tpu.memref_squeeze %dma_wait3A_347 : memref<1x56x784xf32, #tpu.memory_space<vmem>> -> memref<56x784xf32, #tpu.memory_space<vmem>>
    tpu.wait_dma2 semaphore(%dma_wait3A_340 : memref<!tpu.dma_semaphore, #tpu.memory_space<semaphore_mem>>) src(%dma_wait3A_348 : memref<56x784xf32, #tpu.memory_space<vmem>>) dst(%dma_wait3A_344 : memref<56x784xf32, #tpu.memory_space<hbm>>)
    %mul3A_349 = arith.constant 2 : i32
    %mul3A_350 = arith.muli %add3A, %mul3A_349 : i32
    %add3A_351 = arith.constant 0 : i32
    %add3A_352 = arith.addi %mul3A_350, %add3A_351 : i32
    %dma_wait3A_353 = arith.constant 784 : i32
    %dma_wait3A_354 = arith.constant 0 : i32
    %dma_wait3A_355 = tpu.memref_slice %arg3[%add3A_352, %dma_wait3A_353, %dma_wait3A_354] : memref<64x785x784xf32, #tpu.memory_space<hbm>> -> memref<1x1x784xf32, #tpu.memory_space<hbm>>
    %dma_wait3A_356 = tpu.memref_squeeze %dma_wait3A_355 : memref<1x1x784xf32, #tpu.memory_space<hbm>> -> memref<1x784xf32, #tpu.memory_space<hbm>>
    %dma_wait3A_357 = arith.constant 784 : i32
    %dma_wait3A_358 = arith.constant 0 : i32
    %dma_wait3A_359 = tpu.memref_slice %arg3[%add3A_352, %dma_wait3A_357, %dma_wait3A_358] : memref<64x785x784xf32, #tpu.memory_space<hbm>> -> memref<1x1x784xf32, #tpu.memory_space<hbm>>
    %dma_wait3A_360 = tpu.memref_squeeze %dma_wait3A_359 : memref<1x1x784xf32, #tpu.memory_space<hbm>> -> memref<1x784xf32, #tpu.memory_space<hbm>>
    tpu.wait_dma2 semaphore(%arg8 : memref<!tpu.dma_semaphore, #tpu.memory_space<semaphore_mem>>) src(%arg5 : memref<1x784xf32, #tpu.memory_space<vmem>>) dst(%dma_wait3A_360 : memref<1x784xf32, #tpu.memory_space<hbm>>)
    %mul3A_361 = arith.constant 2 : i32
    %mul3A_362 = arith.muli %add3A, %mul3A_361 : i32
    %add3A_363 = arith.constant 1 : i32
    %add3A_364 = arith.addi %mul3A_362, %add3A_363 : i32
    %dma_wait3A_365 = arith.constant 784 : i32
    %dma_wait3A_366 = arith.constant 0 : i32
    %dma_wait3A_367 = tpu.memref_slice %arg3[%add3A_364, %dma_wait3A_365, %dma_wait3A_366] : memref<64x785x784xf32, #tpu.memory_space<hbm>> -> memref<1x1x784xf32, #tpu.memory_space<hbm>>
    %dma_wait3A_368 = tpu.memref_squeeze %dma_wait3A_367 : memref<1x1x784xf32, #tpu.memory_space<hbm>> -> memref<1x784xf32, #tpu.memory_space<hbm>>
    %dma_wait3A_369 = arith.constant 784 : i32
    %dma_wait3A_370 = arith.constant 0 : i32
    %dma_wait3A_371 = tpu.memref_slice %arg3[%add3A_364, %dma_wait3A_369, %dma_wait3A_370] : memref<64x785x784xf32, #tpu.memory_space<hbm>> -> memref<1x1x784xf32, #tpu.memory_space<hbm>>
    %dma_wait3A_372 = tpu.memref_squeeze %dma_wait3A_371 : memref<1x1x784xf32, #tpu.memory_space<hbm>> -> memref<1x784xf32, #tpu.memory_space<hbm>>
    tpu.wait_dma2 semaphore(%arg8 : memref<!tpu.dma_semaphore, #tpu.memory_space<semaphore_mem>>) src(%arg5 : memref<1x784xf32, #tpu.memory_space<vmem>>) dst(%dma_wait3A_372 : memref<1x784xf32, #tpu.memory_space<hbm>>)
    return
  }
}

</mosaic_0001>

<sc_bundles>
// kernel: kernel.3.cloned.1.call-start
scs
__scs_entry_jumppad:
0x0: {  	(pc) =	sbr.rel $0x88, $3  }
0x1: {  	(tag) =	ssettag $0x0;
	lr =	simm.s32 $0x1  }
0x2: {  	[smem:$0x3FA0] =	sst lr;
	_ =	strace $0xD0000000  }
0x3: {  	_ = 	snop  }
0x4: {  	_ = 	snop  }
0x5: {  	_ = 	snop  }
0x6: {  	_ = 	snop  }
0x7: {  	_ = 	snop  }
__scs_overlays_trampoline_lowered:
0x8: {  	[smem:$0x3FAF] =	sst s0  }
0x9: {  	[smem:$0x3FB0] =	sst s1  }
0xa: {  	[smem:$0x3FB1] =	sst s2  }
0xb: {  	[smem:$0x3FB2] =	sst s3  }
0xc: {  	[smem:$0x3FB3] =	sst s4  }
0xd: {  	[smem:$0x3FB4] =	sst s5  }
0xe: {  	[smem:$0x3FB5] =	sst s6  }
0xf: {  	[smem:$0x3FB6] =	sst s7  }
0x10: {  	[smem:$0x3FB7] =	sst s8  }
0x11: {  	[smem:$0x3FB8] =	sst s9;
	s0 =	simm.s32 @!p0 $0x0  }
0x12: {  	s1 =	sld [smem:$0x3F9E];
	s0 =	simm.s32 @p0 $0x1  }
0x13: {  	[smem:$0x3FB9] =	sst s0;
	s0 =	simm.s32 @!p1 $0x0  }
0x14: {  	s2 =	sld [smem:$0x3F9D];
	s0 =	simm.s32 @p1 $0x1  }
0x15: {  	[smem:$0x3FBA] =	sst s0;
	s0 =	simm.s32 @!p2 $0x0  }
0x16: {  	s3 =	sld [smem:$0x3FDB];
	s0 =	simm.s32 @p2 $0x1  }
0x17: {  	s4 =	simm.s32 $0x1BF5;
	[smem:$0x3FBC] =	sst s0  }
0x18: {  	s0 =	sld [smem:$0x3F9F];
	_ =	swait.ge [sflag:s4], $0x0  }
0x19: {  	s7 =	sld [smem:$0x3FA0]  }
0x1a: {  	s8 =	sadd.s32 $0xFFFFE003, lr  }
0x1b: {  	s9 =	sadd.s32 $0xFFFFFEF7, lr;
	s5 =	simm.s32 $0xFFFFFFFF;
	p2 =	slt.u32 s8, $0xFFFFF086  }
0x1c: {  	p1 =	slt.u32 s9, $0xF7A;
	s5 =	simm.s32 @!p2 $0x0  }
0x1d: {  	s5 =	simm.s32 @p1 $0x1;
	p0 =	seq.s32 s7, s2  }
0x1e: {  	s7 =	smul.u32 @!p0 $0xF7A, s2;
	p2 =	seq.s32 @!p0 s5, $0x0  }
0x1f: {  	s9 =	smul.u32 $0xF7A, s1;
	s8 =	simm.s32 @!p0 $0x1BF5;
	p2 =	por !p2, p0  }
0x20: {  	[sflag:s8] =	ssyncset.s32 @!p0 $0xFFFFF086;
	s6 =	sadd.s32 @!p0 s3, s7;
	s7 =	simm.s32 @!p0 $0x108  }
0x21: {  	s3 =	sadd.s32 s3, s9;
	s6 =	sadd.s32 @!p0 $0x88, s6;
	s7 =	simm.s32 @p2 $0x1082  }
0x22: {  	[simem:s7], [sflag:s8] =	dma.local @!p0 [hbm:s6], $0xF7A  }
0x23: {  	s9 =	sor.u32 $0xD0000000, s2;
	s6 =	simm.s32 $0x108;
	_ =	swait.ge @!p0 [sflag:s8], $0x0  }
0x24: {  	s3 =	sadd.s32 $0x88, s3;
	s6 =	simm.s32 @!p1 $0x1082;
	[sflag:s4] =	ssyncset.s32 $0xFFFFF086  }
0x25: {  	[simem:s6], [sflag:s4] =	dma.local [hbm:s3], $0xF7A  }
0x26: {  	[smem:$0x3FA0] =	sst s1;
	(tag) =	ssettag s2;
	_ =	strace s9  }
0x27: {  	s1 =	sld [smem:$0x3FB0]  }
0x28: {  	s2 =	sld [smem:$0x3FB1]  }
0x29: {  	s4 =	sld [smem:$0x3FB3]  }
0x2a: {  	p0 =	seq.s32 s5, $0x0;
	s5 =	sld [smem:$0x3FB4]  }
0x2b: {  	s6 =	sld [smem:$0x3FB5]  }
0x2c: {  	s7 =	sld [smem:$0x3FB6]  }
0x2d: {  	s3 =	simm.s32 $0x108;
	s8 =	sld [smem:$0x3FB7]  }
0x2e: {  	s3 =	simm.s32 @!p0 $0x1082;
	s9 =	sld [smem:$0x3FB8]  }
0x2f: {  	lr =	sadd.s32 s0, s3;
	s0 =	sld [smem:$0x3FAF]  }
0x30: {  	s3 =	sld [smem:$0x3FB2]  }
0x31: {  	[smem:$0x3FBB] =	sst s10  }
0x32: {  	s10 =	sld [smem:$0x3FB9];
	_ =	sdelay $0x3  }
0x33: {  	p0 =	seq.s32 s10, $0x1;
	s10 =	sld [smem:$0x3FBB];
	_ =	sdelay $0x3  }
0x34: {  	[smem:$0x3FBB] =	sst s10  }
0x35: {  	s10 =	sld [smem:$0x3FBA];
	_ =	sdelay $0x3  }
0x36: {  	p1 =	seq.s32 s10, $0x1;
	s10 =	sld [smem:$0x3FBB];
	_ =	sdelay $0x3  }
0x37: {  	[smem:$0x3FBB] =	sst s10  }
0x38: {  	s10 =	sld [smem:$0x3FBC]  }
0x39: {  	_ = 	snop;
	(pc) =	sbr.ind lr, $3  }
0x3a: {  	_ = 	snop  }
0x3b: {  	_ = 	snop  }
0x3c: {  	p2 =	seq.s32 s10, $0x1;
	s10 =	sld [smem:$0x3FBB]  }
0x3d: {  	_ =	shalt  }
0x3e: {  	_ =	shalt  }
0x3f: {  	_ =	shalt  }
0x40: {  	_ =	shalt  }
0x41: {  	_ =	shalt  }
0x42: {  	_ =	shalt  }
0x43: {  	_ =	shalt  }
0x44: {  	_ =	shalt  }
0x45: {  	_ =	shalt  }
0x46: {  	_ =	shalt  }
0x47: {  	_ =	shalt  }
0x48: {  	_ =	shalt  }
0x49: {  	_ =	shalt  }
0x4a: {  	_ =	shalt  }
0x4b: {  	_ =	shalt  }
0x4c: {  	_ =	shalt  }
0x4d: {  	_ =	shalt  }
0x4e: {  	_ =	shalt  }
0x4f: {  	_ =	shalt  }
0x50: {  	_ =	shalt  }
0x51: {  	_ =	shalt  }
0x52: {  	_ =	shalt  }
0x53: {  	_ =	shalt  }
0x54: {  	_ =	shalt  }
0x55: {  	_ =	shalt  }
0x56: {  	_ =	shalt  }
0x57: {  	_ =	shalt  }
0x58: {  	_ =	shalt  }
0x59: {  	_ =	shalt  }
0x5a: {  	_ =	shalt  }
0x5b: {  	_ =	shalt  }
0x5c: {  	_ =	shalt  }
0x5d: {  	_ =	shalt  }
0x5e: {  	_ =	shalt  }
0x5f: {  	_ =	shalt  }
0x60: {  	_ =	shalt  }
0x61: {  	_ =	shalt  }
0x62: {  	_ =	shalt  }
0x63: {  	_ =	shalt  }
0x64: {  	_ =	shalt  }
0x65: {  	_ =	shalt  }
0x66: {  	_ =	shalt  }
0x67: {  	_ =	shalt  }
0x68: {  	_ =	shalt  }
0x69: {  	_ =	shalt  }
0x6a: {  	_ =	shalt  }
0x6b: {  	_ =	shalt  }
0x6c: {  	_ =	shalt  }
0x6d: {  	_ =	shalt  }
0x6e: {  	_ =	shalt  }
0x6f: {  	_ =	shalt  }
0x70: {  	_ =	shalt  }
0x71: {  	_ =	shalt  }
0x72: {  	_ =	shalt  }
0x73: {  	_ =	shalt  }
0x74: {  	_ =	shalt  }
0x75: {  	_ =	shalt  }
0x76: {  	_ =	shalt  }
0x77: {  	_ =	shalt  }
0x78: {  	_ =	shalt  }
0x79: {  	_ =	shalt  }
0x7a: {  	_ =	shalt  }
0x7b: {  	_ =	shalt  }
0x7c: {  	_ =	shalt  }
0x7d: {  	_ =	shalt  }
0x7e: {  	_ =	shalt  }
0x7f: {  	_ =	shalt  }
0x80: {  	_ =	shalt  }
0x81: {  	_ =	shalt  }
0x82: {  	_ =	shalt  }
0x83: {  	_ =	shalt  }
0x84: {  	_ =	shalt  }
0x85: {  	_ =	shalt  }
0x86: {  	_ =	shalt  }
0x87: {  	_ =	shalt  }
.Lfunc_end0:
.L_simem_size_0:
called_computation.1_lowered:
.L_overlay_start_0:
0x88: {  	s2 =	sld [smem:$0x3FD9]  }
0x89: {  	s3 =	sld [smem:$0x3FFE];
	_ =	sdelay $0x1  }
0x8a: {  	s1 =	srdreg.scid  }
0x8b: {  	s0 =	sand.u32 $0x1, s1  }
0x8c: {  	s17 =	sshll.u32 s0, $0xA;
	s2 =	sadd.s32 s3, s2  }
0x8d: {  	s2 =	sadd.s32 s2, s17  }
0x8e: {  	[smem:$0x3FC7] =	sst s2  }
0x8f: {  	_ = 	snop  }
0x90: {  	s2 =	sld [smem:$0x3FD0];
	(tm) =	ssettm $0x1  }
0x91: {  	s18 =	sld [smem:$0x3FFB];
	_ =	sdelay $0x3  }
0x92: {  	_ =	strace s18  }
0x93: {  	s3 =	sld [smem:$0x3FFC];
	_ =	sdelay $0x3  }
0x94: {  	_ =	strace s3  }
0x95: {  	s3 =	sld [smem:$0x3FFD];
	_ =	sdelay $0x3  }
0x96: {  	_ =	strace s3  }
0x97: {  	_ =	strace $0x8FFFFFFF  }
0x98: {  	s19 =	sld [smem:$0x3FDB];
	_ =	sdelay $0x1  }
0x99: {  	s4 =	simm.s32 $_scs_section_size  }
0x9a: {  	s5 =	simm.s32 $_size__tile_overlayer_lowered;
	s6 =	simm.s32 $_tile_overlayer_lowered  }
0x9b: {  	s22 =	simm.s32 $0x1BFF;
	s21 =	sshll.u32 s6, $0x1;
	s3 =	sadd.s32 s4, s19  }
0x9c: {  	s7 =	simm.s32 $0x0;
	s20 =	sshll.u32 s5, $0x1;
	s5 =	sadd.s32 s21, s3  }
0x9d: {  	[timem:s7], [sflag:s22] =	dma.local [hbm:s5], s20  }
0x9e: {  	_ =	swait.ge [sflag:s22], s20  }
0x9f: {  	s4 =	ssub.s32 $0x0, s20;
	[sflag:s22] =	ssyncset.done $0x0  }
0xa0: {  	[sflag:s22] =	ssyncadd.s32 s4;
	_ =	sdelay $0x1  }
0xa1: {  	s23 =	simm.s32 $0x1B8B  }
0xa2: {  	_ =	swait.ge [sflag:s23], $0x1  }
0xa3: {  	[sflag:s23] =	ssyncset.done $0x0  }
0xa4: {  	s25 =	simm.s32 $0x1B8E;
	s24 =	sld [smem:$0x3FFE];
	[sflag:s23] =	ssyncadd.s32 $0xFFFFFFFF  }
0xa5: {  	s26 =	simm.s32 $execute0_lowered;
	[smem:$0x3FD2] =	sst s25  }
0xa6: {  	s5 =	sshll.u32 s26, $0x1;
	_ =	strace $0x80000046;
	[dreg:$0x1] =	wrdreg $0xFFFFFFFF  }
0xa7: {  	s28 =	simm.s32 $_size_execute0_lowered;
	s3 =	sadd.s32 s3, s5;
	[dreg:$0x0] =	wrdreg $0x0  }
0xa8: {  	s5 =	sshll.u32 s28, $0x1;
	[dreg:$0x2] =	wrdreg s3  }
0xa9: {  	[dreg:$0x3] =	wrdreg s5  }
0xaa: {  	[dreg:$0x4] =	wrdreg $0xC0  }
0xab: {  	_ =	task [dreg:s7], $0x5FFFF  }
0xac: {  	[dreg:$0x1] =	wrdreg $0xFFFFFFFF  }
0xad: {  	[dreg:$0x0] =	wrdreg $0x60  }
0xae: {  	[dreg:$0x2] =	wrdreg s2  }
0xaf: {  	[dreg:$0x3] =	wrdreg s24  }
0xb0: {  	[dreg:$0x4] =	wrdreg $0x9  }
0xb1: {  	_ =	task.clear_ibuf [dreg:s7], $0x5FFFF;
	_ =	strace $0x90000046  }
0xb2: {  	s29 =	simm.s32 $0x9;
	_ =	strace $0x80000048  }
0xb3: {  	_ =	swait.ge [sflag:s29], $0x1  }
0xb4: {  	[sflag:s29] =	ssyncadd.s32 $0xFFFFFFFF  }
0xb5: {  	_ =	strace $0x90000048  }
0xb6: {  	_ =	sfence  }
0xb7: {  	s30 =	sld [smem:$0x0];
	_ =	sdelay $0x2  }
0xb8: {  	s31 =	sshll.u32 s1, $0xD;
	s1 =	sshrl.u32 s1, $0x2  }
0xb9: {  	s3 =	sand.u32 $0x4000, s31;
	s1 =	sadd.s32 s1, s30  }
0xba: {  	s0 =	sor.u32 s3, s0;
	s1 =	sshll.u32 s1, $0x11  }
0xbb: {  	s0 =	sor.u32 s1, s0  }
0xbc: {  	s0 =	sadd.s32 $0x8F2B, s0  }
0xbd: {  	[sflag:s0] =	ssyncadd.remote.s32 $0x1  }
0xbe: {  	_ =	sfence.sel $0xFFFF  }
0xbf: {  	[dreg:$0x0] =	wrdreg $0xFFFFFFFF;
	(pc) =	sbr.abs _section_cstart, $3  }
0xc0: {  	[dreg:$0x1] =	wrdreg $0xFFFFFFFF  }
0xc1: {  	_ =	task.clear_ibuf [dreg:s7], $0x2FFFF;
	_ =	strace $0x9FFFFFFF  }
0xc2: {  	(tm) =	ssettm $0x7FFFFFFF  }
0xc3: {  	_ =	shalt  }
tec
execute0_lowered:
.L_overlay_start_1:
0x0: {  	(tag) =	ssettag $0x1  }
0x1: {  	s0 =	rddreg [dreg:$0x0];
	s1 =	srdreg.scid  }
0x2: {  	s4 =	stileid.u32;
	s3 =	rddreg [dreg:$0x1]  }
0x3: {  	s17 =	simm.s32 $0x4;
	s18 =	simm.s32 $0x1;
	s1 =	sand.u32 $0x1, s1  }
0x4: {  	s2 =	sshll.u32 s4, $0x1;
	s4 =	sshrl.u32 s4, $0x1;
	s3 =	sadd.s32 $0x800, s3  }
0x5: {  	s5 =	sor.u32 s1, s2;
	s2 =	simm.s32 $0x0;
	s7 =	sshll.u32 s4, $0x3  }
0x6: {  	s1 =	ssub.s32 $0x2, s1;
	s22 =	smul.u32 $0x380, s4;
	s6 =	sshll.u32 s5, $0x1  }
0x7: {  	[smem:$0x7FF] =	sst s2;
	s21 =	sshrl.u32 s1, $0x1;
	s8 =	sshll.u32 s5, $0x8  }
0x8: {  	s4 =	smul.u32 $0x15A800, s5;
	s9 =	sshllo.u32 s5, $0x1;
	s6 =	ssub.s32 s6, s7  }
0x9: {  	_ =	strace $0x80000047;
	s1 =	ssub.s32 s1, s21;
	s8 =	sand.u32 $0x300, s8  }
0xa: {  	s5 =	smul.u32 $0xAD400, s9;
	s0 =	sadd.s32 s0, s22;
	s25 =	sshll.u32 s9, $0x7  }
0xb: {  	s22 =	simm.s32 $0xC400;
	s6 =	sshrl.u32 s6, $0x3;
	[dreg:$0x3] =	wrdreg s0  }
0xc: {  	s23 =	sshrl.u32 s4, $0x3;
	s0 =	sand.u32 $0x380, s25;
	s31 =	smax.u32 s1, $0x1  }
0xd: {  	s25 =	simm.s32 $0x0;
	s24 =	sadd.s32 s3, s23;
	[dreg:$0xa] =	wrdreg s31  }
0xe: {  	s6 =	smul.u32 $0x7000, s6;
	s10 =	sadd.s32 $0x15700, s24;
	[dreg:$0x4] =	wrdreg s24  }
0xf: {  	s26 =	sshrl.u32 s5, $0x3;
	s29 =	sadd.s32 $0x13E80, s24;
	[dreg:$0x5] =	wrdreg s10  }
0x10: {  	s23 =	simm.s32 $0x2;
	s9 =	sadd.s32 s3, s26;
	[dreg:$0x8] =	wrdreg s29  }
0x11: {  	s24 =	simm.s32 $0x3;
	s28 =	sadd.s32 $0x15700, s9;
	[dreg:$0x6] =	wrdreg s9  }
0x12: {  	s6 =	sshra.s32 s6, $0x2;
	s30 =	sadd.s32 $0x13E80, s9;
	[dreg:$0x7] =	wrdreg s28  }
0x13: {  	v1 =	vimm.f32 $1.000000010e-01;
	vm0 =	vcmask $0x3B00;
	s10 =	simm.s32 $0x18800;
	s6 =	sadd.s32 $0x18B80, s6;
	[dreg:$0x9] =	wrdreg s30  }
0x14: {  	v0 =	vimm.f32 $0.0e+00;
	v2 =	vlaneseq.u32;
	v1 =	vsel vm0, $0x0, v1;
	s7 =	sadd.s32 s8, s6;
	s11 =	sadd.s32 s0, s6;
	s8 =	simm.s32 $0x400  }
.LBB2_1:
0x15: {  	s0 =	simm.s32 $0x0  }
.LBB2_2:
0x16: {  	s1 =	sshrl.u32 s0, $0x3  }
0x17: {  	s1 =	smul.u32 $0x7000, s1  }
0x18: {  	s6 =	sshll.u32 s0, $0x7  }
0x19: {  	s6 =	sand.u32 $0x380, s6;
	s9 =	sshra.s32 s1, $0x2;
	s1 =	simm.s32 $0x0  }
0x1a: {  	s16 =	sor.u32 s6, s9;
	s30 =	sand.u32 $0x1C00, s1  }
0x1b: {  	s31 =	sand.u32 $0x70, s1;
	s19 =	sadd.s32 $0xC400, s16;
	s20 =	sadd.s32 s30, s16  }
0x1c: {  	s6 =	sadd.s32 s30, s19;
	s20 =	sadd.s32 s31, s20  }
0x1d: {  	s26 =	simm.s32 $0x10;
	[tilespmem:s20+$0x0] =	vst v0;
	s6 =	sadd.s32 s31, s6  }
.LBB2_3:
0x1e: {  	p0 =	sne.s32 s26, $0x300  }
0x1f: {  	[tilespmem:s6+$0x0] =	vst v0;
	s1 =	sadd.s32 $0x80, s1;
	s6 =	smov.u32 s26;
	s26 =	sadd.s32 $0x10, s26  }
.Ltmp0:
0x20: {  	(pc) =	sbr.rel @p0 .LBB2_3-.Ltmp0, $4  }
0x21: {  	s9 =	sand.u32 $0x1C00, s1  }
0x22: {  	s6 =	sand.u32 $0x70, s6;
	s20 =	sadd.s32 s9, s16;
	s9 =	sadd.s32 s9, s19  }
0x23: {  	s20 =	sadd.s32 s6, s20  }
0x24: {  	s6 =	sadd.s32 s6, s9;
	[tilespmem:s20+$0x0] =	vst v0  }
0x25: {  	s0 =	sadd.s32 $0x1, s0  }
0x26: {  	p0 =	sne.s32 s0, $0x38  }
.Ltmp1:
0x27: {  	_ = 	snop;
	(pc) =	sbr.rel @p0 .LBB2_2-.Ltmp1, $2  }
0x28: {  	_ =	sdelay $0x2  }
0x29: {  	[tilespmem:s6+$0x0] =	vst v0  }
0x2a: {  	[tilespmem:$0x18800] =	vst v0  }
0x2b: {  	[tilespmem:$0x18810] =	vst v0  }
0x2c: {  	[tilespmem:$0x18820] =	vst v0  }
0x2d: {  	[tilespmem:$0x18830] =	vst v0  }
0x2e: {  	[tilespmem:$0x18840] =	vst v0  }
0x2f: {  	[tilespmem:$0x18850] =	vst v0  }
0x30: {  	[tilespmem:$0x18860] =	vst v0  }
0x31: {  	[tilespmem:$0x18870] =	vst v0  }
0x32: {  	[tilespmem:$0x18880] =	vst v0  }
0x33: {  	[tilespmem:$0x18890] =	vst v0  }
0x34: {  	[tilespmem:$0x188A0] =	vst v0  }
0x35: {  	[tilespmem:$0x188B0] =	vst v0  }
0x36: {  	[tilespmem:$0x188C0] =	vst v0  }
0x37: {  	[tilespmem:$0x188D0] =	vst v0  }
0x38: {  	[tilespmem:$0x188E0] =	vst v0  }
0x39: {  	[tilespmem:$0x188F0] =	vst v0  }
0x3a: {  	[tilespmem:$0x18900] =	vst v0  }
0x3b: {  	[tilespmem:$0x18910] =	vst v0  }
0x3c: {  	[tilespmem:$0x18920] =	vst v0  }
0x3d: {  	[tilespmem:$0x18930] =	vst v0  }
0x3e: {  	[tilespmem:$0x18940] =	vst v0  }
0x3f: {  	[tilespmem:$0x18950] =	vst v0  }
0x40: {  	[tilespmem:$0x18960] =	vst v0  }
0x41: {  	[tilespmem:$0x18970] =	vst v0  }
0x42: {  	[tilespmem:$0x18980] =	vst v0  }
0x43: {  	[tilespmem:$0x18990] =	vst v0  }
0x44: {  	[tilespmem:$0x189A0] =	vst v0  }
0x45: {  	[tilespmem:$0x189B0] =	vst v0  }
0x46: {  	[tilespmem:$0x189C0] =	vst v0  }
0x47: {  	[tilespmem:$0x189D0] =	vst v0  }
0x48: {  	[tilespmem:$0x189E0] =	vst v0  }
0x49: {  	[tilespmem:$0x189F0] =	vst v0  }
0x4a: {  	[tilespmem:$0x18A00] =	vst v0  }
0x4b: {  	[tilespmem:$0x18A10] =	vst v0  }
0x4c: {  	[tilespmem:$0x18A20] =	vst v0  }
0x4d: {  	[tilespmem:$0x18A30] =	vst v0  }
0x4e: {  	[tilespmem:$0x18A40] =	vst v0  }
0x4f: {  	[tilespmem:$0x18A50] =	vst v0  }
0x50: {  	[tilespmem:$0x18A60] =	vst v0  }
0x51: {  	[tilespmem:$0x18A70] =	vst v0  }
0x52: {  	[tilespmem:$0x18A80] =	vst v0  }
0x53: {  	[tilespmem:$0x18A90] =	vst v0  }
0x54: {  	[tilespmem:$0x18AA0] =	vst v0  }
0x55: {  	[tilespmem:$0x18AB0] =	vst v0  }
0x56: {  	[tilespmem:$0x18AC0] =	vst v0  }
0x57: {  	[tilespmem:$0x18AD0] =	vst v0  }
0x58: {  	[tilespmem:$0x18AE0] =	vst v0  }
0x59: {  	[tilespmem:$0x18AF0] =	vst v0  }
0x5a: {  	[tilespmem:$0x18B00] =	vst v1;
	s0 =	rddreg [dreg:$0x3];
	s1 =	simm.s32 $0x18B80;
	s20 =	simm.s32 $0x0  }
0x5b: {  	[tilespmem:s1], [sflag:$0x4] =	stream.linear.gather [hbm4b:s0+s2], $0x1C00, $0x38;
	[tilespmem:$0x1A780] =	vst v63  }
0x5c: {  	s6 =	simm.s32 $0x0;
	s26 =	simm.s32 $0x80;
	s0 =	sand.u32 $0xF, s20  }
0x5d: {  	p1 =	por $0x1, $0x1;
	s31 =	simm.s32 $0x0;
	s9 =	sadd.s32 $0x0, s0  }
0x5e: {  	s21 =	sand.u32 $0xFF, s6;
	s1 =	simm.s32 $0x1;
	s16 =	sand.u32 $0xF0, s9  }
0x5f: {  	s20 =	simm.s32 $0x1;
	s28 =	sand.u32 $0x380, s26;
	p0 =	sne.s32 s21, s16  }
0x60: {  	s19 =	sand.u32 $0xF, s6;
	s30 =	smul.u32 $0x7000, s31;
	p0 =	por !p1, !p0  }
0x61: {  	s6 =	simm.s32 $0x1000000;
	s9 =	sshll.u32 s9, $0x18;
	p0 =	por !p0, !p0  }
0x62: {  	_ =	swait.ge [sflag:s17], $0x1C00;
	s9 =	sshra.s32 s9, $0x1C;
	s20 =	simm.s32 @!p0 $0x0  }
0x63: {  	s0 =	simm.s32 $0x2;
	[sflag:s17] =	ssyncset.done $0x0;
	s29 =	ssub.s32 s9, s20  }
0x64: {  	[sflag:s17] =	ssyncadd.s32 $0xFFFFE400;
	s16 =	simm.s32 $0x3;
	s9 =	sshll.u32 s29, $0x7  }
.LBB2_6:
0x65: {  	p0 =	sne.s32 s16, $0x37;
	s9 =	sand.u32 $0xFFFFFC00, s9  }
0x66: {  	s20 =	sshra.s32 s30, $0x2;
	s6 =	sshra.s32 s6, $0x1F;
	v3 =	vmov s19;
	s19 =	sshll.u32 s29, $0x4  }
0x67: {  	s26 =	sadd.s32 $0x80, s26;
	s9 =	sadd.s32 s9, s20;
	s6 =	sand.u32 $0xF, s6  }
0x68: {  	vm0 =	veq.s32 v3, v2;
	s19 =	sand.u32 $0x70, s19;
	s9 =	sor.u32 s28, s9;
	s6 =	sadd.s32 s6, s1  }
0x69: {  	v3 =	vsel vm0, $0x3DCCCCCD, v0;
	s9 =	sor.u32 s19, s9;
	s19 =	smov.u32 s1;
	s20 =	sand.u32 $0xF0, s6  }
0x6a: {  	s6 =	sshll.u32 s6, $0x18;
	s1 =	sand.u32 $0xFF, s19;
	[tilespmem:s9+$0x0] =	vst v3;
	s9 =	smov.u32 s0  }
0x6b: {  	s0 =	smov.u32 s16;
	p1 =	sne.s32 s1, s20;
	p2 =	slt.u32 s9, $0x2  }
.Ltmp2:
0x6c: {  	s9 =	sshrl.u32 s9, $0x3;
	p1 =	por !p2, !p1;
	(pc) =	sbr.rel @p0 .LBB2_6-.Ltmp2, $4  }
0x6d: {  	s1 =	sadd.s32 $0xFFFFFFFF, s16;
	s20 =	simm.s32 $0x1;
	p1 =	por !p1, !p1  }
0x6e: {  	s28 =	sand.u32 $0x380, s26;
	s6 =	sshra.s32 s6, $0x1C;
	s20 =	simm.s32 @!p1 $0x0  }
0x6f: {  	s19 =	sand.u32 $0xF, s19;
	s30 =	smul.u32 $0x7000, s9;
	s29 =	ssub.s32 s6, s20  }
0x70: {  	s16 =	sadd.s32 $0x1, s16;
	s6 =	sshll.u32 s1, $0x18;
	s9 =	sshll.u32 s29, $0x7  }
0x71: {  	s6 =	sshra.s32 s6, $0x1F  }
0x72: {  	s6 =	sand.u32 $0xF, s6  }
0x73: {  	s16 =	sand.u32 $0xFF, s1;
	s9 =	sand.u32 $0xFFFFFC00, s9;
	s6 =	sadd.s32 s6, s1  }
0x74: {  	s31 =	sshra.s32 s30, $0x2;
	s12 =	sshll.u32 s29, $0x4;
	s20 =	sand.u32 $0xF0, s6  }
0x75: {  	p1 =	slt.u32 s0, $0x2;
	s14 =	sshrl.u32 s0, $0x3;
	p0 =	sne.s32 s16, s20  }
0x76: {  	s26 =	sadd.s32 $0x80, s26;
	s21 =	sand.u32 $0xF, s1;
	p0 =	por !p1, !p0  }
0x77: {  	s6 =	sshll.u32 s6, $0x18;
	s20 =	simm.s32 $0x1;
	p0 =	por !p0, !p0  }
0x78: {  	s29 =	simm.s32 $0x0;
	s6 =	sshra.s32 s6, $0x1C;
	s20 =	simm.s32 @!p0 $0x0  }
0x79: {  	s9 =	sadd.s32 s9, s31;
	s0 =	smul.u32 $0x7000, s14;
	s6 =	ssub.s32 s6, s20  }
0x7a: {  	s13 =	sand.u32 $0x70, s12;
	s15 =	sand.u32 $0x380, s26;
	s20 =	sshll.u32 s6, $0x7  }
0x7b: {  	v3 =	vmov s19;
	s9 =	sor.u32 s28, s9;
	s0 =	sshra.s32 s0, $0x2;
	s26 =	sand.u32 $0xFFFFFC00, s20  }
0x7c: {  	vm0 =	veq.s32 v3, v2;
	v3 =	vmov s21;
	s9 =	sor.u32 s13, s9;
	s28 =	sshll.u32 s6, $0x4;
	s0 =	sadd.s32 s26, s0  }
0x7d: {  	v4 =	vsel vm0, $0x3DCCCCCD, v0;
	vm15 =	veq.s32 v3, v2;
	s1 =	sand.u32 $0x70, s28;
	s16 =	sor.u32 s15, s0;
	s0 =	sand.u32 $0x1C00, s29  }
0x7e: {  	v3 =	vsel vm15, $0x3DCCCCCD, v0;
	[tilespmem:s9+$0x0] =	vst v4;
	s30 =	sor.u32 s1, s16;
	s1 =	sand.u32 $0x70, s29;
	s31 =	sadd.s32 s0, s7  }
0x7f: {  	[tilespmem:s30+$0x0] =	vst v3;
	s6 =	sadd.s32 s1, s31  }
0x80: {  	v3 =	vld [tilespmem:s6+$0x0]  }
0x81: {  	s19 =	simm.s32 $0x80;
	s16 =	simm.s32 $0x10  }
.LBB2_8:
0x82: {  	s6 =	sand.u32 $0x1C00, s19;
	p0 =	sne.s32 s16, $0x300  }
0x83: {  	s9 =	smov.u32 s16;
	s16 =	sadd.s32 $0x10, s16;
	s0 =	sor.u32 s1, s0  }
.Ltmp3:
0x84: {  	s20 =	sadd.s32 s6, s7;
	s1 =	sand.u32 $0x70, s9;
	(pc) =	sbr.rel @p0 .LBB2_8-.Ltmp3, $3  }
0x85: {  	s9 =	sadd.s32 s1, s20;
	[tilespmem:s0+$0x0] =	vst v3;
	s0 =	smov.u32 s6  }
0x86: {  	v3 =	vld [tilespmem:s9+$0x0];
	_ =	sdelay $0x1  }
0x87: {  	s19 =	sadd.s32 $0x80, s19  }
0x88: {  	_ = 	snop  }
0x89: {  	s0 =	sor.u32 s1, s0  }
0x8a: {  	s28 =	simm.s32 $0x0;
	s29 =	rddreg [dreg:$0x4];
	[tilespmem:s0+$0x0] =	vst v3  }
0x8b: {  	[hbm4b:s29+s28] =	stream.linear.scatter [tilespmem:s28], [sflag:$0x1], $0xC400, $0x38;
	[tilespmem:$0x1A780] =	vst v63  }
0x8c: {  	s6 =	simm.s32 $0x80;
	_ =	swait.ge [sflag:s18], $0xC400  }
0x8d: {  	s1 =	sand.u32 $0x1C00, s28;
	s0 =	sand.u32 $0x70, s28;
	[sflag:s18] =	ssyncset.done $0x0  }
0x8e: {  	s31 =	sadd.s32 s1, s11;
	s30 =	rddreg [dreg:$0x5];
	[sflag:s18] =	ssyncadd.s32 $0xFFFF3C00  }
0x8f: {  	[hbm4b:s30+s6] =	stream.strided.scatter [tilespmem:s10], [sflag:$0x3], $0x380, s8, s6, $0x38;
	[tilespmem:$0x1A780] =	vst v63  }
0x90: {  	s6 =	sadd.s32 s0, s31  }
0x91: {  	v3 =	vld [tilespmem:s6+$0x0]  }
0x92: {  	s16 =	simm.s32 $0x10;
	s19 =	simm.s32 $0x80  }
.LBB2_10:
0x93: {  	s6 =	sand.u32 $0x1C00, s19;
	p0 =	sne.s32 s16, $0x300  }
0x94: {  	s9 =	smov.u32 s16;
	s16 =	sadd.s32 $0x10, s16;
	s1 =	sor.u32 s0, s1  }
.Ltmp4:
0x95: {  	s20 =	sadd.s32 s6, s11;
	s0 =	sand.u32 $0x70, s9;
	(pc) =	sbr.rel @p0 .LBB2_10-.Ltmp4, $3  }
0x96: {  	s9 =	sadd.s32 s0, s20;
	[tilespmem:s1+$0x0] =	vst v3;
	s1 =	smov.u32 s6  }
0x97: {  	v3 =	vld [tilespmem:s9+$0x0];
	_ =	sdelay $0x1  }
0x98: {  	s19 =	sadd.s32 $0x80, s19  }
0x99: {  	s0 =	sor.u32 s0, s1  }
0x9a: {  	s13 =	rddreg [dreg:$0x6];
	s14 =	simm.s32 $0x1;
	s26 =	simm.s32 $0x80  }
0x9b: {  	s16 =	simm.s32 $0x0;
	s19 =	simm.s32 $0x0;
	p0 =	por $0x1, $0x1  }
0x9c: {  	s9 =	simm.s32 $0x0;
	s1 =	sand.u32 $0xF, s19;
	[tilespmem:s0+$0x0] =	vst v3;
	s0 =	sand.u32 $0xF, s16  }
0x9d: {  	[hbm4b:s13+s2] =	stream.linear.scatter [tilespmem:s2], [sflag:$0x1], $0xC400, $0x38;
	[tilespmem:$0x1A780] =	vst v63  }
0x9e: {  	s20 =	sadd.s32 $0x0, s1;
	s1 =	simm.s32 $0x1;
	p1 =	sne.s32 s0, $0x0  }
0x9f: {  	s0 =	sshll.u32 s20, $0x18;
	_ =	swait.ge [sflag:s14], $0xC400;
	p0 =	por !p0, !p1  }
0xa0: {  	s6 =	sshra.s32 s0, $0x1C;
	[sflag:s14] =	ssyncset.done $0x0;
	p0 =	por !p0, !p0  }
0xa1: {  	s15 =	rddreg [dreg:$0x7];
	[sflag:s14] =	ssyncadd.s32 $0xFFFF3C00;
	s1 =	simm.s32 @!p0 $0x0  }
0xa2: {  	[hbm4b:s15+s26] =	stream.strided.scatter [tilespmem:s10], [sflag:$0x3], $0x380, s8, s26, $0x38;
	[tilespmem:$0x1A780] =	vst v63  }
0xa3: {  	s30 =	simm.s32 $0x1000000;
	s21 =	smul.u32 $0x7000, s9;
	s6 =	ssub.s32 s6, s1  }
0xa4: {  	s19 =	sand.u32 $0x380, s26;
	s16 =	simm.s32 $0x1;
	s31 =	sshll.u32 s6, $0x7  }
0xa5: {  	s20 =	sshra.s32 s21, $0x2;
	s0 =	simm.s32 $0x2;
	s9 =	sand.u32 $0xFFFFFC00, s31  }
0xa6: {  	s1 =	simm.s32 $0x3;
	s28 =	sshll.u32 s6, $0x4;
	s29 =	sadd.s32 s9, s20  }
.LBB2_12:
0xa7: {  	p0 =	sne.s32 s1, $0x37;
	s6 =	sand.u32 $0x70, s28  }
0xa8: {  	s9 =	sor.u32 s19, s29;
	s19 =	smov.u32 s0;
	s0 =	smov.u32 s1  }
0xa9: {  	s20 =	sshra.s32 s30, $0x1F;
	s28 =	sand.u32 $0xF, s16;
	s6 =	sor.u32 s6, s9  }
0xaa: {  	s9 =	sand.u32 $0xF, s20;
	p1 =	slt.u32 s19, $0x2;
	p2 =	sne.s32 s28, $0x0;
	[tilespmem:s6+$0x0] =	vst v0  }
0xab: {  	s6 =	sadd.s32 s9, s16;
	p1 =	por !p1, !p2;
	s9 =	simm.s32 $0x1  }
0xac: {  	s16 =	sshrl.u32 s19, $0x3;
	s6 =	sshll.u32 s6, $0x18;
	p1 =	por !p1, !p1  }
.Ltmp5:
0xad: {  	s6 =	sshra.s32 s6, $0x1C;
	s9 =	simm.s32 @!p1 $0x0;
	(pc) =	sbr.rel @p0 .LBB2_12-.Ltmp5, $4  }
0xae: {  	s26 =	sadd.s32 $0x80, s26;
	s6 =	ssub.s32 s6, s9;
	s9 =	smul.u32 $0x7000, s16  }
0xaf: {  	s19 =	sand.u32 $0x380, s26;
	s16 =	sadd.s32 $0xFFFFFFFF, s1;
	s20 =	sshll.u32 s6, $0x7  }
0xb0: {  	s30 =	sshll.u32 s16, $0x18;
	s20 =	sand.u32 $0xFFFFFC00, s20;
	s9 =	sshra.s32 s9, $0x2  }
0xb1: {  	s1 =	sadd.s32 $0x1, s1;
	s28 =	sshll.u32 s6, $0x4;
	s29 =	sadd.s32 s20, s9  }
0xb2: {  	s1 =	sshra.s32 s30, $0x1F;
	s6 =	sand.u32 $0xF, s16  }
0xb3: {  	p1 =	slt.u32 s0, $0x2;
	p0 =	sne.s32 s6, $0x0;
	s1 =	sand.u32 $0xF, s1  }
0xb4: {  	s1 =	sadd.s32 s1, s16;
	p0 =	por !p1, !p0  }
0xb5: {  	s6 =	simm.s32 $0x1;
	s1 =	sshll.u32 s1, $0x18;
	p0 =	por !p0, !p0  }
0xb6: {  	s21 =	sshrl.u32 s0, $0x3;
	s1 =	sshra.s32 s1, $0x1C;
	s6 =	simm.s32 @!p0 $0x0  }
0xb7: {  	s0 =	smul.u32 $0x7000, s21;
	s1 =	ssub.s32 s1, s6  }
0xb8: {  	s28 =	sand.u32 $0x70, s28;
	s9 =	sor.u32 s19, s29;
	s30 =	sshll.u32 s1, $0x7  }
0xb9: {  	s31 =	sadd.s32 $0x80, s26;
	s0 =	sshra.s32 s0, $0x2;
	s16 =	sand.u32 $0xFFFFFC00, s30  }
0xba: {  	s19 =	sand.u32 $0x380, s31;
	s1 =	sshll.u32 s1, $0x4;
	s0 =	sadd.s32 s16, s0  }
0xbb: {  	s6 =	sor.u32 s28, s9;
	s1 =	sand.u32 $0x70, s1;
	s0 =	sor.u32 s19, s0  }
0xbc: {  	[tilespmem:s6+$0x0] =	vst v0;
	s0 =	sor.u32 s1, s0  }
0xbd: {  	s26 =	simm.s32 $0x0;
	s1 =	simm.s32 $0x0;
	[tilespmem:s0+$0x0] =	vst v0;
	s0 =	simm.s32 $0x0  }
.LBB2_14:
0xbe: {  	p0 =	sne.s32 s1, $0x300  }
.Ltmp6:
0xbf: {  	_ = 	snop;
	(pc) =	sbr.rel @p0 .LBB2_14-.Ltmp6, $4  }
0xc0: {  	_ = 	snop  }
0xc1: {  	s6 =	sand.u32 $0x70, s1;
	s9 =	sand.u32 $0x1C00, s0  }
0xc2: {  	s6 =	sor.u32 s6, s9  }
0xc3: {  	s0 =	sadd.s32 $0x80, s0;
	s1 =	sadd.s32 $0x10, s1;
	[tilespmem:s6+$0x0] =	vst v0  }
0xc4: {  	s0 =	simm.s32 $0xFFFFFE38;
	s30 =	simm.s32 $0xFFFFFFF8;
	s28 =	simm.s32 $0x0  }
.LBB2_16:
0xc5: {  	p0 =	seq.s32 s28, $0x0  }
0xc6: {  	s31 =	sshll.u32 s28, $0x1;
	s9 =	sadd.s32 $0x0, s26;
	s6 =	simm.s32 @!p0 $0x1  }
0xc7: {  	s1 =	sshllo.u32 s28, $0x1;
	s29 =	smov.u32 s0;
	_ =	swait.ge @!p0 [sflag:s6], $0xC400  }
0xc8: {  	s16 =	simm.s32 $0x0;
	s19 =	simm.s32 $0x1;
	[sflag:s6] =	ssyncset.done @!p0 $0x0  }
0xc9: {  	s0 =	sadd.s32 $0x380, s0;
	s15 =	sadd.s32 $0x38, s9;
	[sflag:s6] =	ssyncadd.s32 @!p0 $0xFFFF3C00  }
0xca: {  	s9 =	sadd.s32 $0x37, s9;
	p1 =	sgt.u32 s15, $0x70;
	_ =	swait.ge @!p0 [sflag:s6], $0xC400  }
0xcb: {  	s21 =	sand.u32 $0xFFFFFC00, s0;
	s20 =	simm.s32 @!p1 $0x0;
	[sflag:s6] =	ssyncset.done @!p0 $0x0  }
0xcc: {  	s20 =	smul.u32 @!p1 $0x7000, s20;
	[sflag:s6] =	ssyncadd.s32 @!p0 $0xFFFF3C00;
	s6 =	simm.s32 @p1 $0x0  }
0xcd: {  	s13 =	sand.u32 $0xF, s9;
	s12 =	sadd.s32 @p1 $0x0, s26;
	s6 =	smul.u32 @p1 $0x7000, s6  }
0xce: {  	s14 =	sand.u32 @p1 $0xFFFFFC00, s29;
	s15 =	sand.u32 @p1 $0x380, s16;
	s8 =	sand.u32 @!p1 $0x380, s16  }
0xcf: {  	s12 =	sadd.s32 @p1 $0xFFFFFFC7, s12;
	s10 =	sshra.s32 @p1 s6, $0x2;
	s20 =	smov.u32 @p1 s6  }
0xd0: {  	s8 =	smov.u32 @p1 s15;
	s6 =	sadd.s32 @p1 s14, s10;
	s20 =	sshra.s32 s20, $0x2  }
0xd1: {  	v4 =	vmov s13;
	s12 =	sand.u32 @p1 $0x70, s12;
	s6 =	sor.u32 @p1 s15, s6;
	s10 =	sadd.s32 s21, s20  }
0xd2: {  	s9 =	sand.u32 $0x70, s9;
	v3 =	vimm.f32 @p1 $0.0e+00;
	vm0 =	veq.s32 v4, v2;
	s6 =	sor.u32 @p1 s12, s6;
	s20 =	sadd.s32 s8, s10  }
.LBB2_17:
0xd3: {  	s8 =	sadd.s32 s19, s26  }
0xd4: {  	[tilespmem:s6+$0x0] =	vst @p1 v3;
	v3 =	vsel vm0, $0x3DCCCCCD, v0;
	s6 =	sadd.s32 s9, s20;
	s9 =	smov.u32 s19;
	s19 =	sadd.s32 $0x1, s19  }
0xd5: {  	s16 =	sadd.s32 $0x80, s16;
	s29 =	sadd.s32 $0x8, s29;
	s10 =	sadd.s32 $0x38, s8;
	[tilespmem:s6+$0x0] =	vst v3  }
0xd6: {  	p2 =	sne.s32 s19, $0x38;
	s8 =	sadd.s32 $0x37, s8;
	p1 =	sgt.u32 s10, $0x70  }
0xd7: {  	s10 =	sadd.s32 $0x380, s29;
	s13 =	sand.u32 $0xF, s8;
	s6 =	sshrl.u32 @p1 s9, $0x3  }
0xd8: {  	s12 =	sshrl.u32 @!p1 s9, $0x3;
	s10 =	sand.u32 $0xFFFFFC00, s10;
	s6 =	smul.u32 @p1 $0x7000, s6  }
0xd9: {  	s9 =	sadd.s32 @p1 s9, s26;
	s14 =	sand.u32 @p1 $0xFFFFFC00, s29;
	s12 =	smul.u32 @!p1 $0x7000, s12  }
.Ltmp7:
0xda: {  	s15 =	sand.u32 @p1 $0x380, s16;
	s20 =	sand.u32 @!p1 $0x380, s16;
	(pc) =	sbr.rel @p2 .LBB2_17-.Ltmp7, $4  }
0xdb: {  	s9 =	sadd.s32 @p1 $0xFFFFFFC7, s9;
	s21 =	sshra.s32 @p1 s6, $0x2;
	s12 =	smov.u32 @p1 s6  }
0xdc: {  	s20 =	smov.u32 @p1 s15;
	s6 =	sadd.s32 @p1 s14, s21;
	s12 =	sshra.s32 s12, $0x2  }
0xdd: {  	v4 =	vmov s13;
	s9 =	sand.u32 @p1 $0x70, s9;
	s6 =	sor.u32 @p1 s15, s6;
	s10 =	sadd.s32 s10, s12  }
0xde: {  	v3 =	vimm.f32 @p1 $0.0e+00;
	vm0 =	veq.s32 v4, v2;
	s6 =	sor.u32 @p1 s9, s6;
	s9 =	sand.u32 $0x70, s8;
	s20 =	sadd.s32 s20, s10  }
0xdf: {  	s1 =	smul.u32 $0xC400, s1;
	_ =	sdelay $0x1  }
0xe0: {  	s8 =	sadd.s32 s4, s1  }
0xe1: {  	[tilespmem:s6+$0x0] =	vst @p1 v3;
	v3 =	vsel vm0, $0x3DCCCCCD, v0;
	s19 =	sadd.s32 s9, s20;
	s1 =	sadd.s32 s5, s1;
	s8 =	sshrl.u32 s8, $0x3  }
0xe2: {  	[tilespmem:s19+$0x0] =	vst v3;
	s1 =	sshrl.u32 s1, $0x3;
	s20 =	sadd.s32 s3, s8  }
0xe3: {  	[hbm4b:s20+s2] =	stream.linear.scatter [tilespmem:s2], [sflag:$0x1], $0xC400, $0x38;
	[tilespmem:$0x1A780] =	vst v63  }
0xe4: {  	s6 =	simm.s32 @!p0 $0x2;
	s1 =	sadd.s32 s3, s1  }
0xe5: {  	[hbm4b:s1+s2] =	stream.linear.scatter [tilespmem:s2], [sflag:$0x1], $0xC400, $0x38;
	[tilespmem:$0x1A780] =	vst v63  }
0xe6: {  	_ =	swait.ge @!p0 [sflag:s6], $0xC400  }
0xe7: {  	[sflag:s6] =	ssyncset.done @!p0 $0x0  }
0xe8: {  	[sflag:s6] =	ssyncadd.s32 @!p0 $0xFFFF3C00  }
0xe9: {  	s21 =	sadd.s32 $0x0, s26;
	s16 =	simm.s32 $0x0;
	_ =	swait.ge @!p0 [sflag:s6], $0xC400  }
0xea: {  	s29 =	sadd.s32 $0x70, s21;
	s19 =	simm.s32 $0x1;
	[sflag:s6] =	ssyncset.done @!p0 $0x0  }
0xeb: {  	s8 =	sadd.s32 $0x6F, s21;
	[sflag:s6] =	ssyncadd.s32 @!p0 $0xFFFF3C00;
	p0 =	sgt.u32 s29, $0x70  }
0xec: {  	s13 =	sand.u32 $0xF, s8;
	s1 =	sadd.s32 $0x2, s31;
	s6 =	simm.s32 @p0 $0x0  }
0xed: {  	s31 =	sadd.s32 $0x380, s30;
	s9 =	simm.s32 @!p0 $0x0;
	s6 =	smul.u32 @p0 $0x7000, s6  }
0xee: {  	s10 =	sand.u32 $0xFFFFFC00, s31;
	s12 =	sadd.s32 @p0 $0x0, s26;
	s9 =	smul.u32 @!p0 $0x7000, s9  }
0xef: {  	s14 =	sand.u32 @p0 $0xFFFFFC00, s30;
	s15 =	sand.u32 @p0 $0x380, s16;
	s20 =	sand.u32 @!p0 $0x380, s16  }
0xf0: {  	s12 =	sadd.s32 @p0 $0xFFFFFFFF, s12;
	s21 =	sshra.s32 @p0 s6, $0x2;
	s9 =	smov.u32 @p0 s6  }
0xf1: {  	s20 =	smov.u32 @p0 s15;
	s6 =	sadd.s32 @p0 s14, s21;
	s9 =	sshra.s32 s9, $0x2  }
0xf2: {  	v4 =	vmov s13;
	s12 =	sand.u32 @p0 $0x70, s12;
	s6 =	sor.u32 @p0 s15, s6;
	s10 =	sadd.s32 s10, s9  }
0xf3: {  	vm0 =	veq.s32 v4, v2;
	v3 =	vimm.f32 @p0 $0.0e+00;
	s9 =	sand.u32 $0x70, s8;
	s6 =	sor.u32 @p0 s12, s6;
	s20 =	sadd.s32 s20, s10  }
.LBB2_19:
0xf4: {  	s8 =	sadd.s32 s19, s26  }
0xf5: {  	[tilespmem:s6+$0xC400] =	vst @p0 v3;
	v3 =	vsel vm0, $0x3DCCCCCD, v0;
	s6 =	sadd.s32 s9, s20;
	s9 =	smov.u32 s19;
	s19 =	sadd.s32 $0x1, s19  }
0xf6: {  	s16 =	sadd.s32 $0x80, s16;
	s30 =	sadd.s32 $0x8, s30;
	s10 =	sadd.s32 $0x70, s8;
	[tilespmem:s6+$0xC400] =	vst v3  }
0xf7: {  	p1 =	sne.s32 s19, $0x38;
	s8 =	sadd.s32 $0x6F, s8;
	p0 =	sgt.u32 s10, $0x70  }
0xf8: {  	s10 =	sadd.s32 $0x380, s30;
	s13 =	sand.u32 $0xF, s8;
	s6 =	sshrl.u32 @p0 s9, $0x3  }
0xf9: {  	s12 =	sshrl.u32 @!p0 s9, $0x3;
	s10 =	sand.u32 $0xFFFFFC00, s10;
	s6 =	smul.u32 @p0 $0x7000, s6  }
0xfa: {  	s9 =	sadd.s32 @p0 s9, s26;
	s14 =	sand.u32 @p0 $0xFFFFFC00, s30;
	s12 =	smul.u32 @!p0 $0x7000, s12  }
.Ltmp8:
0xfb: {  	s15 =	sand.u32 @p0 $0x380, s16;
	s20 =	sand.u32 @!p0 $0x380, s16;
	(pc) =	sbr.rel @p1 .LBB2_19-.Ltmp8, $4  }
0xfc: {  	s9 =	sadd.s32 @p0 $0xFFFFFFFF, s9;
	s21 =	sshra.s32 @p0 s6, $0x2;
	s12 =	smov.u32 @p0 s6  }
0xfd: {  	s20 =	smov.u32 @p0 s15;
	s6 =	sadd.s32 @p0 s14, s21;
	s12 =	sshra.s32 s12, $0x2  }
0xfe: {  	v4 =	vmov s13;
	s9 =	sand.u32 @p0 $0x70, s9;
	s6 =	sor.u32 @p0 s15, s6;
	s10 =	sadd.s32 s10, s12  }
0xff: {  	v3 =	vimm.f32 @p0 $0.0e+00;
	vm0 =	veq.s32 v4, v2;
	s6 =	sor.u32 @p0 s9, s6;
	s9 =	sand.u32 $0x70, s8;
	s20 =	sadd.s32 s20, s10  }
0x100: {  	s1 =	smul.u32 $0xC400, s1  }
0x101: {  	s28 =	sadd.s32 $0x1, s28  }
0x102: {  	[tilespmem:s6+$0xC400] =	vst @p0 v3;
	s21 =	sadd.s32 s9, s20;
	p0 =	sne.s32 s28, $0x6;
	s8 =	sadd.s32 s4, s1  }
.Ltmp9:
0x103: {  	v3 =	vsel vm0, $0x3DCCCCCD, v0;
	s1 =	sadd.s32 s5, s1;
	s8 =	sshrl.u32 s8, $0x3;
	(pc) =	sbr.rel @p0 .LBB2_16-.Ltmp9, $4  }
0x104: {  	[tilespmem:s21+$0xC400] =	vst v3;
	s1 =	sshrl.u32 s1, $0x3;
	s29 =	sadd.s32 s3, s8  }
0x105: {  	[hbm4b:s29+s2] =	stream.linear.scatter [tilespmem:s22], [sflag:$0x2], $0xC400, $0x38;
	[tilespmem:$0x1A780] =	vst v63  }
0x106: {  	s26 =	sadd.s32 $0x70, s26;
	s30 =	smov.u32 s31;
	s1 =	sadd.s32 s3, s1  }
0x107: {  	[hbm4b:s1+s2] =	stream.linear.scatter [tilespmem:s22], [sflag:$0x2], $0xC400, $0x38;
	[tilespmem:$0x1A780] =	vst v63  }
0x108: {  	_ =	swait.ge [sflag:s18], $0xC400  }
0x109: {  	[sflag:s18] =	ssyncset.done $0x0  }
0x10a: {  	s26 =	simm.s32 $0x1338;
	[sflag:s18] =	ssyncadd.s32 $0xFFFF3C00  }
0x10b: {  	s0 =	simm.s32 $0x0;
	s1 =	simm.s32 $0x0;
	_ =	swait.ge [sflag:s18], $0xC400  }
0x10c: {  	s16 =	simm.s32 $0x1340;
	s19 =	sand.u32 $0x1400, s26;
	[sflag:s18] =	ssyncset.done $0x0  }
0x10d: {  	s28 =	smul.u32 $0x7000, s1;
	s1 =	simm.s32 $0x0;
	[sflag:s18] =	ssyncadd.s32 $0xFFFF3C00  }
.LBB2_22:
0x10e: {  	p0 =	sne.s32 s16, $0x14F0  }
0x10f: {  	s6 =	sadd.s32 $0x267, s0;
	s8 =	sadd.s32 $0x380, s26;
	s9 =	sadd.s32 $0x2D7, s0  }
0x110: {  	s10 =	sand.u32 $0x380, s1;
	s12 =	sshra.s32 s28, $0x2;
	s14 =	sand.u32 $0xF, s9  }
0x111: {  	s8 =	sand.u32 $0x1C00, s8;
	s6 =	sand.u32 $0x70, s6;
	s13 =	sadd.s32 s19, s12  }
.Ltmp10:
0x112: {  	v3 =	vmov s14;
	s8 =	sadd.s32 s8, s12;
	s13 =	sor.u32 s10, s13;
	(pc) =	sbr.rel @p0 .LBB2_22-.Ltmp10, $4  }
0x113: {  	s9 =	sand.u32 $0x70, s9;
	vm0 =	veq.s32 v3, v2;
	s8 =	sor.u32 s10, s8;
	s6 =	sor.u32 s6, s13  }
0x114: {  	s0 =	sadd.s32 $0x1, s0;
	s26 =	smov.u32 s16;
	v3 =	vsel vm0, $0x3DCCCCCD, v0;
	[tilespmem:s6+$0x0] =	vst v0;
	s6 =	sor.u32 s9, s8  }
0x115: {  	s1 =	sadd.s32 $0x80, s1;
	s8 =	sshrl.u32 s0, $0x3;
	[tilespmem:s6+$0x0] =	vst v3  }
0x116: {  	s16 =	sadd.s32 $0x8, s16;
	s19 =	sand.u32 $0x1400, s26;
	s28 =	smul.u32 $0x7000, s8  }
0x117: {  	s6 =	sadd.s32 $0x267, s0;
	s8 =	sadd.s32 $0x380, s26  }
0x118: {  	s26 =	sadd.s32 $0x2D7, s0;
	s1 =	sand.u32 $0x380, s1;
	s9 =	sshra.s32 s28, $0x2  }
0x119: {  	s12 =	sand.u32 $0xF, s26;
	s8 =	sand.u32 $0x1C00, s8;
	s10 =	sadd.s32 s19, s9  }
0x11a: {  	s6 =	sand.u32 $0x70, s6;
	v3 =	vmov s12;
	s8 =	sadd.s32 s8, s9;
	s10 =	sor.u32 s1, s10  }
0x11b: {  	s0 =	sand.u32 $0x70, s26;
	vm0 =	veq.s32 v3, v2;
	s1 =	sor.u32 s1, s8;
	s6 =	sor.u32 s6, s10  }
0x11c: {  	v3 =	vsel vm0, $0x3DCCCCCD, v0;
	s0 =	sor.u32 s0, s1;
	[tilespmem:s6+$0x0] =	vst v0  }
0x11d: {  	s29 =	rddreg [dreg:$0x8];
	[tilespmem:s0+$0x0] =	vst v3  }
0x11e: {  	[hbm4b:s29+s2] =	stream.linear.scatter [tilespmem:s2], [sflag:$0x1], $0xC400, $0x38;
	[tilespmem:$0x1A780] =	vst v63  }
0x11f: {  	s30 =	rddreg [dreg:$0x9]  }
0x120: {  	[hbm4b:s30+s2] =	stream.linear.scatter [tilespmem:s2], [sflag:$0x1], $0xC400, $0x38;
	[tilespmem:$0x1A780] =	vst v63  }
0x121: {  	_ =	swait.ge [sflag:s23], $0xC400  }
0x122: {  	[sflag:s23] =	ssyncset.done $0x0  }
0x123: {  	[sflag:s23] =	ssyncadd.s32 $0xFFFF3C00  }
0x124: {  	_ =	swait.ge [sflag:s23], $0xC400  }
0x125: {  	[sflag:s23] =	ssyncset.done $0x0  }
0x126: {  	[sflag:s23] =	ssyncadd.s32 $0xFFFF3C00  }
0x127: {  	_ =	swait.ge [sflag:s18], $0xC400  }
0x128: {  	[sflag:s18] =	ssyncset.done $0x0  }
0x129: {  	[sflag:s18] =	ssyncadd.s32 $0xFFFF3C00  }
0x12a: {  	_ =	swait.ge [sflag:s18], $0xC400  }
0x12b: {  	[sflag:s18] =	ssyncset.done $0x0  }
0x12c: {  	[sflag:s18] =	ssyncadd.s32 $0xFFFF3C00  }
0x12d: {  	_ =	swait.ge [sflag:s24], $0x380  }
0x12e: {  	[sflag:s24] =	ssyncset.done $0x0  }
0x12f: {  	[sflag:s24] =	ssyncadd.s32 $0xFFFFFC80  }
0x130: {  	_ =	swait.ge [sflag:s24], $0x380  }
0x131: {  	s25 =	sadd.s32 $0x1, s25;
	s31 =	rddreg [dreg:$0xa]  }
0x132: {  	p0 =	sne.s32 s25, s31  }
.Ltmp11:
0x133: {  	_ = 	snop;
	(pc) =	sbr.rel @p0 .LBB2_1-.Ltmp11, $3  }
0x134: {  	_ =	sdelay $0x1  }
0x135: {  	[sflag:s24] =	ssyncset.done $0x0  }
0x136: {  	s8 =	simm.s32 $0x400;
	s10 =	simm.s32 $0x18800;
	[sflag:s24] =	ssyncadd.s32 $0xFFFFFC80  }
0x137: {  	_ =	sfence.sel $0x180000  }
0x138: {  	[bflag:$0x0] =	sbarrier.arrive $0xFFFF  }
0x139: {  	_ =	strace $0x90000047  }
0x13a: {  	s0 =	stileid.u32;
	[bflag:$0x2] =	sbarrier.arrive $0xFFFF  }
0x13b: {  	p0 =	sne.s32 s0, $0x0;
	s0 =	rddreg [dreg:$0x2]  }
0x13c: {  	s0 =	sadd.s32 @!p0 $0x100000, s0  }
0x13d: {  	[sflag:s0] =	ssyncadd.tile.s32 @!p0 $0x1;
	_ =	shalt  }
.Lfunc_end2:
_tile_overlayer_lowered:
.L_overlay_start_2:
0x13e: {  	(tag) =	ssettag $0x2  }
0x13f: {  	s0 =	rddreg [dreg:$0x0];
	s2 =	stileid.u32  }
0x140: {  	s1 =	rddreg [dreg:$0x1];
	p0 =	sne.s32 s2, $0x0  }
0x141: {  	s3 =	rddreg [dreg:$0x2];
	[bflag:$0x3] =	sbarrier.arrive $0xFFFF;
	s2 =	simm.s32 @!p0 $0x1C04  }
0x142: {  	[timem:s3], [sflag:s2] =	dma.local @!p0 [hbm:s0], s1  }
0x143: {  	s0 =	simm.s32 @!p0 $0x4  }
0x144: {  	_ =	swait.ge @!p0 [sflag:s0], s1  }
0x145: {  	s1 =	ssub.s32 @!p0 $0x0, s1;
	[sflag:s0] =	ssyncset.done @!p0 $0x0  }
0x146: {  	[sflag:s0] =	ssyncadd.s32 @!p0 s1  }
0x147: {  	[bflag:$0x3] =	sbarrier.arrive $0xFFFF  }
0x148: {  	_ =	shalt  }

// kernel: sparse-core-data-format-call.cloned.1.call-start
scs
called_computation_lowered:
.L_overlay_start_0:
0x0: {  	s2 =	sld [smem:$0x3FD9]  }
0x1: {  	s3 =	sld [smem:$0x3FFE];
	_ =	sdelay $0x1  }
0x2: {  	s1 =	srdreg.scid  }
0x3: {  	s0 =	sand.u32 $0x1, s1  }
0x4: {  	s18 =	sshll.u32 s0, $0xA;
	s2 =	sadd.s32 s3, s2  }
0x5: {  	s2 =	sadd.s32 s2, s18  }
0x6: {  	[smem:$0x3FC7] =	sst s2  }
0x7: {  	_ = 	snop  }
0x8: {  	s2 =	sld [smem:$0x3FD0];
	(tm) =	ssettm $0x1  }
0x9: {  	s19 =	sld [smem:$0x3FFB];
	_ =	sdelay $0x3  }
0xa: {  	_ =	strace s19  }
0xb: {  	s3 =	sld [smem:$0x3FFC];
	_ =	sdelay $0x3  }
0xc: {  	_ =	strace s3  }
0xd: {  	s3 =	sld [smem:$0x3FFD];
	_ =	sdelay $0x3  }
0xe: {  	_ =	strace s3  }
0xf: {  	_ =	strace $0x8FFFFFFF  }
0x10: {  	s20 =	sld [smem:$0x3FDB];
	_ =	sdelay $0x1  }
0x11: {  	s4 =	simm.s32 $_scs_section_size  }
0x12: {  	s5 =	simm.s32 $_size__tile_overlayer_lowered;
	s6 =	simm.s32 $_tile_overlayer_lowered  }
0x13: {  	s23 =	simm.s32 $0x1BFF;
	s22 =	sshll.u32 s6, $0x1;
	s3 =	sadd.s32 s4, s20  }
0x14: {  	s7 =	simm.s32 $0x0;
	s21 =	sshll.u32 s5, $0x1;
	s5 =	sadd.s32 s22, s3  }
0x15: {  	[timem:s7], [sflag:s23] =	dma.local [hbm:s5], s21  }
0x16: {  	_ =	swait.ge [sflag:s23], s21  }
0x17: {  	s4 =	ssub.s32 $0x0, s21;
	[sflag:s23] =	ssyncset.done $0x0  }
0x18: {  	[sflag:s23] =	ssyncadd.s32 s4;
	_ =	sdelay $0x1  }
0x19: {  	s24 =	simm.s32 $0x1B8B  }
0x1a: {  	_ =	swait.ge [sflag:s24], $0x1  }
0x1b: {  	[sflag:s24] =	ssyncset.done $0x0  }
0x1c: {  	s26 =	simm.s32 $0x1B8E;
	s25 =	sld [smem:$0x3FFE];
	[sflag:s24] =	ssyncadd.s32 $0xFFFFFFFF  }
0x1d: {  	s27 =	simm.s32 $execute0_lowered;
	[smem:$0x3FD2] =	sst s26  }
0x1e: {  	s5 =	sshll.u32 s27, $0x1;
	_ =	strace $0x80000049;
	[dreg:$0x1] =	wrdreg $0xFFFFFFFF  }
0x1f: {  	s28 =	simm.s32 $_size_execute0_lowered;
	s3 =	sadd.s32 s3, s5;
	[dreg:$0x0] =	wrdreg $0x0  }
0x20: {  	s5 =	sshll.u32 s28, $0x1;
	[dreg:$0x2] =	wrdreg s3  }
0x21: {  	[dreg:$0x3] =	wrdreg s5  }
0x22: {  	[dreg:$0x4] =	wrdreg $0xC0  }
0x23: {  	_ =	task [dreg:s7], $0x5FFFF  }
0x24: {  	[dreg:$0x1] =	wrdreg $0xFFFFFFFF  }
0x25: {  	[dreg:$0x0] =	wrdreg $0x60  }
0x26: {  	[dreg:$0x2] =	wrdreg s25  }
0x27: {  	[dreg:$0x3] =	wrdreg s2  }
0x28: {  	[dreg:$0x4] =	wrdreg $0x9  }
0x29: {  	_ =	task.clear_ibuf [dreg:s7], $0x5FFFF;
	_ =	strace $0x90000049  }
0x2a: {  	s29 =	simm.s32 $0x9;
	_ =	strace $0x8000004B  }
0x2b: {  	_ =	swait.ge [sflag:s29], $0x1  }
0x2c: {  	[sflag:s29] =	ssyncadd.s32 $0xFFFFFFFF  }
0x2d: {  	_ =	strace $0x9000004B  }
0x2e: {  	_ =	sfence  }
0x2f: {  	s30 =	sld [smem:$0x0];
	_ =	sdelay $0x2  }
0x30: {  	s31 =	sshll.u32 s1, $0xD;
	s1 =	sshrl.u32 s1, $0x2  }
0x31: {  	s3 =	sand.u32 $0x4000, s31;
	s1 =	sadd.s32 s1, s30  }
0x32: {  	s0 =	sor.u32 s3, s0;
	s1 =	sshll.u32 s1, $0x11  }
0x33: {  	s0 =	sor.u32 s1, s0  }
0x34: {  	s0 =	sadd.s32 $0x8F2B, s0  }
0x35: {  	[sflag:s0] =	ssyncadd.remote.s32 $0x1  }
0x36: {  	_ =	sfence.sel $0xFFFF  }
0x37: {  	[dreg:$0x0] =	wrdreg $0xFFFFFFFF;
	(pc) =	sbr.abs _section_cstart, $3  }
0x38: {  	[dreg:$0x1] =	wrdreg $0xFFFFFFFF  }
0x39: {  	_ =	task.clear_ibuf [dreg:s7], $0x2FFFF;
	_ =	strace $0x9FFFFFFF  }
0x3a: {  	(tm) =	ssettm $0x7FFFFFFF  }
0x3b: {  	_ =	shalt  }
tec
execute0_lowered:
.L_overlay_start_1:
0x0: {  	(tag) =	ssettag $0x1  }
0x1: {  	s0 =	srdreg.scid  }
0x2: {  	s6 =	rddreg [dreg:$0x0];
	s1 =	sshll.u32 s0, $0x4  }
0x3: {  	s3 =	rddreg [dreg:$0x1];
	s0 =	stileid.u32;
	s1 =	sand.u32 $0x10, s1  }
0x4: {  	s7 =	simm.s32 $0x2;
	s15 =	simm.s32 $0x0;
	s2 =	sor.u32 s0, s1  }
0x5: {  	s8 =	simm.s32 $0xAB800;
	s9 =	simm.s32 $0x0;
	s1 =	ssub.s32 $0x1C, s2  }
0x6: {  	s16 =	simm.s32 $0x0;
	s17 =	simm.s32 $0x0;
	p0 =	sgt.s32 s1, $0x0  }
0x7: {  	s18 =	simm.s32 $0x0;
	s10 =	simm.s32 $0x0;
	s1 =	simm.s32 @!p0 $0x0  }
.Ltmp0:
0x8: {  	s11 =	simm.s32 $0x0;
	s4 =	sadd.s32 $0x1F, s1;
	(pc) =	sbr.rel .LBB1_1-.Ltmp0, $4  }
0x9: {  	s12 =	simm.s32 $0x0;
	s1 =	rddreg [dreg:$0x2];
	s5 =	sshrl.u32 s4, $0x5  }
0xa: {  	_ =	strace $0x8000004A;
	s4 =	simm.s32 $0x1;
	s5 =	smul.u32 $0xC4, s5  }
0xb: {  	s14 =	simm.s32 $0x0;
	s6 =	sadd.s32 $0x56A800, s6;
	[sflag:s4] =	ssyncpa.u1 $0x0  }
0xc: {  	s13 =	smov.u32 s2;
	[sflag:s7] =	ssyncpa.u1 $0x0;
	s7 =	sor.u32 $0x1, s5  }
.LBB1_4:
0xd: {  	_ =	sdelay $0x3  }
0xe: {  	[tilespmem:v0+s21+$0xFFFFFFA0 ss:$0x1] =	vst.idx.msk $0xffff, v6  }
0xf: {  	v56 =	vld.idx.msk [tilespmem:v1+s20+$0x30 ss:$0x1], $0xffff;
	[tilespmem:v0+s21+$0xFFFFFFB0 ss:$0x1] =	vst.idx.msk $0xffff, v4  }
0x10: {  	v57 =	vld.idx.msk [tilespmem:v1+s20+$0xFFFFFFC0 ss:$0x1], $0xffff;
	[tilespmem:v0+s21+$0xFFFFFFC0 ss:$0x1] =	vst.idx.msk $0xffff, v2  }
0x11: {  	v58 =	vld.idx.msk [tilespmem:v1+s20+$0xFFFFFFD0 ss:$0x1], $0xffff;
	[tilespmem:v0+s21+$0xFFFFFFD0 ss:$0x1] =	vst.idx.msk $0xffff, v3  }
0x12: {  	v59 =	vld.idx.msk [tilespmem:v1+s20+$0xFFFFFFE0 ss:$0x1], $0xffff;
	[tilespmem:v0+s21+$0xFFFFFFE0 ss:$0x1] =	vst.idx.msk $0xffff, v5  }
0x13: {  	s22 =	sshrl.u32 s15, $0x7;
	[tilespmem:v0+s21+$0xFFFFFFF0 ss:$0x1] =	vst.idx.msk $0xffff, v7;
	v60 =	vld.idx.msk [tilespmem:v1+s20+$0xFFFFFFF0 ss:$0x1], $0xffff  }
0x14: {  	v61 =	vld.idx.msk [tilespmem:v1+s20+$0x0 ss:$0x1], $0xffff;
	s27 =	smulhi.u32 $0x24924925, s22;
	[tilespmem:v0+s20+$0x0 ss:$0x1] =	vst.idx.msk $0xffff, v56  }
0x15: {  	v62 =	vld.idx.msk [tilespmem:v1+s20+$0x10 ss:$0x1], $0xffff;
	s18 =	smul.u32 $0xC40, s18;
	[tilespmem:v0+s20+$0xFFFFFF90 ss:$0x1] =	vst.idx.msk $0xffff, v57  }
0x16: {  	v63 =	vld.idx.msk [tilespmem:v1+s20+$0x20 ss:$0x1], $0xffff;
	s21 =	smul.u32 $0x380, s27;
	[tilespmem:v0+s20+$0xFFFFFFA0 ss:$0x1] =	vst.idx.msk $0xffff, v58  }
0x17: {  	s17 =	smul.u32 $0x70, s17;
	[tilespmem:v0+s20+$0xFFFFFFB0 ss:$0x1] =	vst.idx.msk $0xffff, v59  }
0x18: {  	s16 =	smul.u32 $0x15700, s16;
	s18 =	sadd.s32 s3, s18;
	[tilespmem:v0+s20+$0xFFFFFFC0 ss:$0x1] =	vst.idx.msk $0xffff, v60;
	s28 =	ssub.s32 s15, s21  }
0x19: {  	s17 =	sadd.s32 s17, s18;
	[tilespmem:v0+s20+$0xFFFFFFD0 ss:$0x1] =	vst.idx.msk $0xffff, v61;
	s29 =	sand.u32 $0x7, s28  }
0x1a: {  	s16 =	sadd.s32 s16, s17;
	[tilespmem:v0+s20+$0xFFFFFFE0 ss:$0x1] =	vst.idx.msk $0xffff, v62;
	s15 =	sshrl.u32 s28, $0x3;
	s30 =	sshll.u32 s29, $0x12  }
0x1b: {  	[tilespmem:v0+s20+$0xFFFFFFF0 ss:$0x1] =	vst.idx.msk $0xffff, v63;
	s15 =	sadd.s32 s15, s16;
	s31 =	sor.u32 $0x80, s30  }
0x1c: {  	[hbm4b:s15+s31] =	stream.strided.scatter [tilespmem:s19], [sflag:$0x2], $0x2000, s8, s31, $0x38;
	[tilespmem:$0x8000] =	vst v63  }
.LBB1_5:
0x1d: {  	s19 =	sadd.s32 $0x80, s10  }
0x1e: {  	s15 =	sadd.s32 $0x40, s11;
	s20 =	smov.u32 s11;
	p1 =	sgt.s32 s19, $0x310  }
0x1f: {  	s20 =	smov.u32 @p1 s15  }
0x20: {  	s15 =	simm.s32 $0x1;
	p2 =	sgt.s32 s20, $0x3F  }
0x21: {  	s15 =	simm.s32 @!p2 $0x0  }
0x22: {  	s21 =	sadd.s32 s15, s12  }
0x23: {  	s22 =	smov.u32 s13;
	s15 =	sadd.s32 $0x20, s13;
	p3 =	sgt.s32 s21, $0x1B  }
0x24: {  	p0 =	slt.u32 s14, $0x2;
	s22 =	smov.u32 @p3 s15  }
0x25: {  	s16 =	smov.u32 s11;
	s19 =	simm.s32 @p1 $0x0;
	p1 =	sgt.s32 s22, $0x1B  }
0x26: {  	s23 =	simm.s32 @!p0 $0x2;
	s22 =	smov.u32 @p1 s2;
	p1 =	sne.s32 s14, s7  }
.Ltmp1:
0x27: {  	s17 =	smov.u32 s12;
	_ =	swait.ge @!p0 [sflag:s23], $0x2000;
	(pc) =	sbr.rel @!p1 .LBB1_6-.Ltmp1, $4  }
0x28: {  	s18 =	smov.u32 s13;
	[sflag:s23] =	ssyncset.done @!p0 $0x0;
	s20 =	simm.s32 @p2 $0x0  }
0x29: {  	s9 =	sadd.s32 $0x2000, s9;
	[sflag:s23] =	ssyncadd.s32 @!p0 $0xFFFFE000;
	s11 =	smov.u32 s20  }
0x2a: {  	s21 =	simm.s32 @p3 $0x0;
	s15 =	smov.u32 s10;
	s10 =	smov.u32 s19  }
0x2b: {  	s12 =	smov.u32 s21;
	s14 =	sadd.s32 $0x1, s14;
	s13 =	smov.u32 s22  }
.LBB1_1:
0x2c: {  	p0 =	sge.u32 s14, s5  }
0x2d: {  	s19 =	sshrl.u32 @!p0 s11, $0x3  }
0x2e: {  	s20 =	sshll.u32 @!p0 s10, $0x3;
	s19 =	smul.u32 @!p0 $0x1C00, s19  }
0x2f: {  	s21 =	sshll.u32 @!p0 s11, $0x7;
	s20 =	sand.u32 @!p0 $0xFFFFFC00, s20  }
0x30: {  	s19 =	sadd.s32 @!p0 s19, s20;
	s20 =	sand.u32 @!p0 $0x380, s21  }
0x31: {  	s19 =	sor.u32 @!p0 s20, s19  }
0x32: {  	s20 =	sshrl.u32 @!p0 s19, $0x7  }
0x33: {  	s20 =	smulhi.u32 @!p0 $0x24924925, s20  }
0x34: {  	s31 =	sadd.s32 $0xFFFFFFFF, s14;
	s24 =	smul.u32 @!p0 $0x31000, s13;
	s21 =	sxor.u32 @!p0 $0xFFFFFFFF, s14  }
0x35: {  	s23 =	sand.u32 @!p0 $0x7F, s10;
	s21 =	sshll.u32 @!p0 s21, $0xD;
	s22 =	smul.u32 @!p0 $0x380, s20  }
0x36: {  	s19 =	sor.u32 @!p0 s23, s19;
	s23 =	smul.u32 @!p0 $0x1C00, s12;
	s20 =	sand.u32 @!p0 $0x3F, s20  }
0x37: {  	s20 =	smul.u32 @!p0 $0x70, s20;
	s19 =	ssub.s32 @!p0 s19, s22;
	s22 =	sadd.s32 @!p0 s6, s24  }
0x38: {  	s21 =	sand.u32 @!p0 $0x2000, s21;
	s22 =	sadd.s32 @!p0 s23, s22;
	s23 =	sand.u32 @!p0 $0x7, s19  }
0x39: {  	s19 =	sshrl.u32 @!p0 s19, $0x3;
	s20 =	sadd.s32 @!p0 s20, s22;
	s22 =	sshll.u32 @!p0 s23, $0x12  }
0x3a: {  	s19 =	sadd.s32 @!p0 s19, s20;
	s20 =	sor.u32 @!p0 $0x400, s22;
	s22 =	simm.s32 @!p0 $0x1C00  }
0x3b: {  	[tilespmem:s21], [sflag:$0x1] =	stream.strided.gather @!p0 [hbm4b:s19+s20], $0x2000, s22, s20, $0x38;
	[tilespmem:$0x8000] =	vst v63  }
0x3c: {  	p0 =	sge.u32 s31, s5  }
.Ltmp2:
0x3d: {  	_ = 	snop;
	(pc) =	sbr.rel @p0 .LBB1_5-.Ltmp2, $1  }
0x3e: {  	_ =	sdelay $0x3  }
0x3f: {  	s19 =	sand.u32 $0x2000, s9  }
0x40: {  	s20 =	sor.u32 $0x40, s19  }
0x41: {  	v1 =	vmov s20;
	_ =	sdelay $0x1  }
0x42: {  	_ =	swait.ge [sflag:s4], $0x2000  }
0x43: {  	[sflag:s4] =	ssyncset.done $0x0  }
0x44: {  	s21 =	simm.s32 $0x0;
	[sflag:s4] =	ssyncadd.s32 $0xFFFFE000  }
0x45: {  	s19 =	sor.u32 $0x4070, s19;
	v7 =	vld.idx.msk [tilespmem:v1+s21+$0x30 ss:$0x1], $0xffff  }
0x46: {  	v0 =	vmov s19;
	v8 =	vld.idx.msk [tilespmem:v1+s21+$0xFFFFFFC0 ss:$0x1], $0xffff  }
0x47: {  	v6 =	vld.idx.msk [tilespmem:v1+s21+$0xFFFFFFD0 ss:$0x1], $0xffff  }
0x48: {  	v4 =	vld.idx.msk [tilespmem:v1+s21+$0xFFFFFFE0 ss:$0x1], $0xffff  }
0x49: {  	v2 =	vld.idx.msk [tilespmem:v1+s21+$0xFFFFFFF0 ss:$0x1], $0xffff  }
0x4a: {  	s31 =	sshll.u32 s14, $0xD;
	v3 =	vld.idx.msk [tilespmem:v1+s21+$0x0 ss:$0x1], $0xffff  }
0x4b: {  	s19 =	sand.u32 $0x2000, s31;
	v5 =	vld.idx.msk [tilespmem:v1+s21+$0x10 ss:$0x1], $0xffff;
	[tilespmem:v0+s21+$0x0 ss:$0x1] =	vst.idx.msk $0xffff, v7  }
0x4c: {  	s22 =	simm.s32 $0x400;
	s20 =	simm.s32 $0x80;
	s19 =	sor.u32 $0x4000, s19;
	[tilespmem:v0+s21+$0xFFFFFF90 ss:$0x1] =	vst.idx.msk $0xffff, v8;
	v7 =	vld.idx.msk [tilespmem:v1+s21+$0x20 ss:$0x1], $0xffff  }
.LBB1_3:
0x4d: {  	p0 =	sne.s32 s22, $0x7E00;
	v8 =	vld.idx.msk [tilespmem:v1+s20+$0x30 ss:$0x1], $0xffff;
	[tilespmem:v0+s21+$0xFFFFFFA0 ss:$0x1] =	vst.idx.msk $0xffff, v6  }
0x4e: {  	v9 =	vld.idx.msk [tilespmem:v1+s20+$0xFFFFFFC0 ss:$0x1], $0xffff;
	[tilespmem:v0+s21+$0xFFFFFFB0 ss:$0x1] =	vst.idx.msk $0xffff, v4  }
0x4f: {  	v6 =	vld.idx.msk [tilespmem:v1+s20+$0xFFFFFFD0 ss:$0x1], $0xffff;
	[tilespmem:v0+s21+$0xFFFFFFC0 ss:$0x1] =	vst.idx.msk $0xffff, v2  }
.Ltmp3:
0x50: {  	v4 =	vld.idx.msk [tilespmem:v1+s20+$0xFFFFFFE0 ss:$0x1], $0xffff;
	[tilespmem:v0+s21+$0xFFFFFFD0 ss:$0x1] =	vst.idx.msk $0xffff, v3;
	(pc) =	sbr.rel @p0 .LBB1_3-.Ltmp3, $4  }
0x51: {  	v2 =	vld.idx.msk [tilespmem:v1+s20+$0xFFFFFFF0 ss:$0x1], $0xffff;
	[tilespmem:v0+s21+$0xFFFFFFE0 ss:$0x1] =	vst.idx.msk $0xffff, v5  }
0x52: {  	v3 =	vld.idx.msk [tilespmem:v1+s20+$0x0 ss:$0x1], $0xffff;
	[tilespmem:v0+s21+$0xFFFFFFF0 ss:$0x1] =	vst.idx.msk $0xffff, v7;
	s21 =	smov.u32 s20  }
0x53: {  	v5 =	vld.idx.msk [tilespmem:v1+s21+$0x10 ss:$0x1], $0xffff;
	[tilespmem:v0+s21+$0x0 ss:$0x1] =	vst.idx.msk $0xffff, v8  }
0x54: {  	s20 =	sshra.s32 s22, $0x2;
	s22 =	sadd.s32 $0x200, s22;
	[tilespmem:v0+s21+$0xFFFFFF90 ss:$0x1] =	vst.idx.msk $0xffff, v9;
	v7 =	vld.idx.msk [tilespmem:v1+s21+$0x20 ss:$0x1], $0xffff  }
.Ltmp4:
0x55: {  	_ = 	snop;
	(pc) =	sbr.rel .LBB1_4-.Ltmp4, $1  }
0x56: {  	_ =	sdelay $0x3  }
.LBB1_6:
0x57: {  	_ =	sfence.sel $0x180000  }
0x58: {  	s2 =	simm.s32 $0x1;
	[bflag:$0x0] =	sbarrier.arrive $0xFFFF  }
0x59: {  	s31 =	simm.s32 $0x2;
	[sflag:s2] =	ssyncpa.u1 $0x1  }
0x5a: {  	[sflag:s31] =	ssyncpa.u1 $0x1  }
0x5b: {  	p0 =	sne.s32 s0, $0x0;
	_ =	strace $0x9000004A  }
0x5c: {  	s0 =	sadd.s32 @!p0 $0x100000, s1;
	[bflag:$0x2] =	sbarrier.arrive $0xFFFF  }
0x5d: {  	[sflag:s0] =	ssyncadd.tile.s32 @!p0 $0x1;
	_ =	shalt  }
.Lfunc_end1:
_tile_overlayer_lowered:
.L_overlay_start_2:
0x5e: {  	(tag) =	ssettag $0x2  }
0x5f: {  	s0 =	rddreg [dreg:$0x0];
	s2 =	stileid.u32  }
0x60: {  	s1 =	rddreg [dreg:$0x1];
	p0 =	sne.s32 s2, $0x0  }
0x61: {  	s3 =	rddreg [dreg:$0x2];
	[bflag:$0x3] =	sbarrier.arrive $0xFFFF;
	s2 =	simm.s32 @!p0 $0x1C01  }
0x62: {  	[timem:s3], [sflag:s2] =	dma.local @!p0 [hbm:s0], s1  }
0x63: {  	s0 =	simm.s32 @!p0 $0x1  }
0x64: {  	_ =	swait.ge @!p0 [sflag:s0], s1  }
0x65: {  	s1 =	ssub.s32 @!p0 $0x0, s1;
	[sflag:s0] =	ssyncset.done @!p0 $0x0  }
0x66: {  	[sflag:s0] =	ssyncadd.s32 @!p0 s1  }
0x67: {  	[bflag:$0x3] =	sbarrier.arrive $0xFFFF  }
0x68: {  	_ =	shalt  }

</sc_bundles>
